<compile_context>
chip_gen: v7x
topology: tpu7x:2x2x1
jax: 0.10.2.dev20260603
libtpu: 0.0.44.dev20260713+nightly
codegen_flags: <defaults>
</compile_context>

<pallas_src>
import functools

import jax
import jax.numpy as jnp
from jax import lax
from jax.experimental import pallas as pl
from jax.experimental.pallas import tpu as pltpu
from jax.experimental.pallas import tpu_sc as plsc

N_NODES = 10000
N_EDGES = 320000
BATCH = 128

NC, NS, LANES = 2, 16, 16
NW = NC * NS
EW = N_EDGES // NW
K = 80
CH = EW // K
N_PAD = 10240
RPS = N_PAD // NS
NF = N_PAD // BATCH

_MESH = plsc.VectorSubcoreMesh(core_axis_name="c", subcore_axis_name="s",
                               num_cores=NC, num_subcores=NS)
_PARAMS = pltpu.CompilerParams(needs_layout_passes=False)


def _sc_main_body(data_h, lw_h, ids3_h, acc_out_h,
                  data_v, idx_v, lw_c0, lw_c1, acc_sh, sem0, sem1):
    c = lax.axis_index("c")
    s = lax.axis_index("s")
    w = c * NS + s
    base = w * EW

    def zrow(i, carry):
        for h in range(BATCH // LANES):
            data_v[i, pl.ds(h * LANES, LANES)] = jnp.zeros((LANES,), jnp.float32)
        return carry

    lax.fori_loop(0, 2 * K, zrow, 0, unroll=False)

    arow = s * RPS
    for i in range(4):
        pltpu.sync_copy(data_v, acc_sh.at[pl.ds(arow + i * 2 * K, 2 * K)])
    plsc.subcore_barrier()

    pltpu.sync_copy(ids3_h.at[w], idx_v)

    sems = (sem0, sem1)
    lwbufs = (lw_c0, lw_c1)

    def gather_descs(chunk, b):
        off = base + chunk * K
        return (
            pltpu.make_async_copy(data_h.at[pl.ds(off, K)],
                                  data_v.at[pl.ds(K * b, K)], sems[b]),
            pltpu.make_async_copy(lw_h.at[pl.ds(off, K)], lwbufs[b], sems[b]),
        )

    def gather_start(chunk, b):
        for d in gather_descs(chunk, b):
            d.start()

    def gather_wait(chunk, b):
        for d in gather_descs(chunk, b):
            d.wait()

    def compute(chunk, b):
        lwbuf = lwbufs[b]

        def ebody(k, carry):
            kv = jnp.broadcast_to(k, (LANES,)).astype(jnp.int32)
            lwb = plsc.load_gather(lwbuf, [kv])
            row = K * b + k
            for h in range(BATCH // LANES):
                x = data_v[row, pl.ds(h * LANES, LANES)]
                data_v[row, pl.ds(h * LANES, LANES)] = jnp.exp(x + lwb)
            return carry

        lax.fori_loop(0, K, ebody, 0, unroll=False)

    def compute_and_scatter(chunk, b):
        compute(chunk, b)
        pltpu.sync_copy(data_v.at[pl.ds(K * b, K)],
                        acc_sh.at[idx_v.at[chunk]], add=True)

    gather_start(0, 0)

    def gloop(g, carry):
        for b in range(2):
            chunk = 2 * g + b
            gather_wait(chunk, b)
            gather_start(chunk + 1, 1 - b)
            compute_and_scatter(chunk, b)
        return carry

    lax.fori_loop(0, (CH - 1) // 2, gloop, 0, unroll=False)
    gather_wait(CH - 1, 0)
    compute_and_scatter(CH - 1, 0)

    plsc.subcore_barrier()
    out_base = c * N_PAD + arow
    for i in range(4):
        pltpu.sync_copy(acc_sh.at[pl.ds(arow + i * 2 * K, 2 * K)], data_v)
        pltpu.sync_copy(data_v, acc_out_h.at[pl.ds(out_base + i * 2 * K, 2 * K)])


_sc_main_call = functools.partial(
    pl.kernel,
    out_type=jax.ShapeDtypeStruct((NC * N_PAD, BATCH), jnp.float32),
    mesh=_MESH,
    compiler_params=_PARAMS,
    scratch_types=[
        pltpu.VMEM((2 * K, BATCH), jnp.float32),
        pltpu.VMEM((CH, K), jnp.int32),
        pltpu.VMEM((K,), jnp.float32),
        pltpu.VMEM((K,), jnp.float32),
        pltpu.VMEM_SHARED((N_PAD, BATCH), jnp.float32),
        pltpu.SemaphoreType.DMA,
        pltpu.SemaphoreType.DMA,
    ],
)(_sc_main_body)


def _sc_norm_body(lw_h, ids_h, accw_out_h, lw_v, ids_v, norm2d, rowidx_v,
                  accw_sh):
    c = lax.axis_index("c")
    s = lax.axis_index("s")
    w = c * NS + s
    base = w * EW

    def zrow(i, carry):
        for h in range(BATCH // LANES):
            norm2d[i, pl.ds(h * LANES, LANES)] = jnp.zeros((LANES,), jnp.float32)
        return carry

    lax.fori_loop(0, NF, zrow, 0, unroll=False)

    @pl.when(s == 0)
    def _():
        pltpu.sync_copy(norm2d, accw_sh)

    for i in range(NF // LANES):
        rowidx_v[pl.ds(i * LANES, LANES)] = (
            lax.iota(jnp.int32, LANES) + jnp.int32(i * LANES))
    plsc.subcore_barrier()

    pltpu.sync_copy(lw_h.at[pl.ds(base, EW)], lw_v)
    pltpu.sync_copy(ids_h.at[pl.ds(base, EW)], ids_v)

    def ebody(g, carry):
        idv = ids_v[pl.ds(g * LANES, LANES)]
        v = jnp.exp(lw_v[pl.ds(g * LANES, LANES)])
        plsc.addupdate_scatter(
            norm2d, [lax.shift_right_logical(idv, 7), idv & 127], v)
        return carry

    lax.fori_loop(0, EW // LANES, ebody, 0, unroll=False)

    pltpu.sync_copy(norm2d, accw_sh.at[rowidx_v], add=True)
    plsc.subcore_barrier()

    @pl.when(s < NF // 8)
    def _():
        pltpu.sync_copy(accw_sh.at[pl.ds(s * 8, 8)],
                        accw_out_h.at[pl.ds(c * NF + s * 8, 8)])


_sc_norm_call = functools.partial(
    pl.kernel,
    out_type=jax.ShapeDtypeStruct((NC * NF, BATCH), jnp.float32),
    mesh=_MESH,
    compiler_params=_PARAMS,
    scratch_types=[
        pltpu.VMEM((EW,), jnp.float32),
        pltpu.VMEM((EW,), jnp.int32),
        pltpu.VMEM((NF, BATCH), jnp.float32),
        pltpu.VMEM((NF,), jnp.int32),
        pltpu.VMEM_SHARED((NF, BATCH), jnp.float32),
    ],
)(_sc_norm_body)


ROWS_BLK = 1024


def _finish_body(acc_ref, nf_ref, out_ref):
    a = acc_ref[0] + acc_ref[1]
    wb = nf_ref[0] + nf_ref[1]
    out_ref[...] = jnp.log(a / wb)


_finish_call = pl.pallas_call(
    _finish_body,
    grid=(N_PAD // ROWS_BLK,),
    in_specs=[
        pl.BlockSpec((NC, ROWS_BLK, BATCH), lambda i: (0, i, 0)),
        pl.BlockSpec((NC, ROWS_BLK, BATCH), lambda i: (0, i, 0)),
    ],
    out_specs=pl.BlockSpec((ROWS_BLK, BATCH), lambda i: (i, 0)),
    out_shape=jax.ShapeDtypeStruct((N_PAD, BATCH), jnp.float32),
)


def kernel(data, log_weights, segment_ids):
    ids32 = segment_ids.astype(jnp.int32)
    ids3 = ids32.reshape(NW, CH, K)
    lw = log_weights.astype(jnp.float32)
    acc = _sc_main_call(data, lw, ids3)
    accw = _sc_norm_call(lw, ids32)
    acc = acc.reshape(NC, N_PAD, BATCH)
    accw = jnp.broadcast_to(
        accw.reshape(NC, N_PAD)[:, :, None], (NC, N_PAD, BATCH))
    return _finish_call(acc, accw)[:N_NODES]

# --- scband reference (transcript-rebuilt; emitter-appended) ---
"""Pipeline reference for scband-sum-layer-82935818486453 (READ-ONLY COPY).

The authoritative reference and input builder live on the scoring server;
editing this copy changes nothing except your own understanding.
"""

import jax, jax.numpy as jnp
import numpy as np

NUM_NODES = 10000
NUM_EDGES = 320000
BATCH = 128


def setup_inputs(seed: int = 0) -> dict:
    key = jax.random.key(seed)
    k1, k2, k3 = jax.random.split(key, 3)
    data = jax.random.normal(k1, (NUM_EDGES, BATCH), dtype=jnp.float32)
    log_weights = jax.random.normal(k2, (NUM_EDGES,), dtype=jnp.float32)
    segment_ids = jnp.sort(jax.random.randint(k3, (NUM_EDGES,), 0, NUM_NODES)).astype(jnp.int64)
    return {"data": data, "log_weights": log_weights, "segment_ids": segment_ids}


def _segment_logsumexp(x, segment_ids, num_segments):
    # numerically stable segmented logsumexp (sparse sum-layer reduction)
    seg_max = jax.ops.segment_max(x, segment_ids, num_segments=num_segments)
    seg_max = jnp.where(jnp.isfinite(seg_max), seg_max, 0.0)
    gathered_max = jnp.take(seg_max, segment_ids, axis=0)
    sums = jax.ops.segment_sum(jnp.exp(x - gathered_max), segment_ids, num_segments=num_segments)
    return jnp.log(sums) + seg_max


def reference(data, log_weights, segment_ids):
    # SumLayer log-likelihood: for each sum node n,
    #   ll[n, b] = logsumexp_{e in edges(n)} (log_w[e] + child_ll[e, b]) - logsumexp_{e in edges(n)} log_w[e]
    weighted = data + log_weights[:, None]
    ll = _segment_logsumexp(weighted, segment_ids, NUM_NODES)
    log_norm = _segment_logsumexp(log_weights, segment_ids, NUM_NODES)
    return ll - log_norm[:, None]

if __name__ == "__main__":
    import jax
    _d = setup_inputs()
    print(jax.jit(kernel)(*tuple(_d.values())))

</pallas_src>

<mosaic_0001>
#map = affine_map<(d0, d1) -> (0)>
#map1 = affine_map<(d0, d1) -> (0, 0)>
module attributes {stable_mosaic.version = 14 : i64} {
  func.func @_sc_norm_body(%arg0: i32, %arg1: i32, %arg2: memref<320000xf32, #tpu.memory_space<hbm>>, %arg3: memref<320000xi32, #tpu.memory_space<hbm>>, %arg4: memref<160x128xf32, #tpu.memory_space<hbm>>, %arg5: memref<10000xf32, #tpu.memory_space<vmem>>, %arg6: memref<10000xi32, #tpu.memory_space<vmem>>, %arg7: memref<80x128xf32, #tpu.memory_space<vmem>>, %arg8: memref<80xi32, #tpu.memory_space<vmem>>, %arg9: memref<80x128xf32, #tpu.memory_space<vmem_shared>>) attributes {dimension_semantics = [#tpu.dimension_semantics<core_parallel>, #tpu.dimension_semantics<subcore_parallel>], iteration_bounds = array<i64: 2, 16>, scalar_prefetch = 0 : i64, scratch_operands = 5 : i64, tpu.core_type = #tpu.core_type<sc_vector_subcore>, window_params = [{transform_indices = #map}, {transform_indices = #map}, {transform_indices = #map1}]} {
    %mul3A = arith.constant 16 : i32
    %mul3A_0 = arith.muli %arg0, %mul3A : i32
    %add3A = arith.addi %mul3A_0, %arg1 : i32
    %mul3A_1 = arith.constant 10000 : i32
    %mul3A_2 = arith.muli %add3A, %mul3A_1 : i32
    %scan3A = arith.constant 0 : i32
    %scan3A_3 = arith.constant 0 : i32
    %scan3A_4 = arith.constant 80 : i32
    %scan3A_5 = arith.addi %scan3A_3, %scan3A_4 : i32
    %scan3A_6 = arith.constant 1 : i32
    scf.for %scan3A_49 = %scan3A_3 to %scan3A_5 step %scan3A_6  : i32 {
      %broadcast_in_dim3A = arith.constant 0.000000e+00 : f32
      %broadcast_in_dim3A_50 = vector.broadcast %broadcast_in_dim3A : f32 to vector<16xf32>
      %swap3A_51 = arith.index_cast %scan3A_49 : i32 to index
      %swap3A_52 = arith.constant 0 : index
      %swap3A_53 = tpu.vector_load %arg7[%swap3A_51, %swap3A_52] {strides = array<i32>} : memref<80x128xf32, #tpu.memory_space<vmem>>, vector<16xf32>,
      tpu.vector_store %arg7[%swap3A_51, %swap3A_52], %broadcast_in_dim3A_50 {strides = array<i32>} : memref<80x128xf32, #tpu.memory_space<vmem>>, vector<16xf32>,
      %broadcast_in_dim3A_54 = arith.constant 0.000000e+00 : f32
      %broadcast_in_dim3A_55 = vector.broadcast %broadcast_in_dim3A_54 : f32 to vector<16xf32>
      %swap3A_56 = arith.index_cast %scan3A_49 : i32 to index
      %swap3A_57 = arith.constant 16 : index
      %swap3A_58 = tpu.vector_load %arg7[%swap3A_56, %swap3A_57] {strides = array<i32>} : memref<80x128xf32, #tpu.memory_space<vmem>>, vector<16xf32>,
      tpu.vector_store %arg7[%swap3A_56, %swap3A_57], %broadcast_in_dim3A_55 {strides = array<i32>} : memref<80x128xf32, #tpu.memory_space<vmem>>, vector<16xf32>,
      %broadcast_in_dim3A_59 = arith.constant 0.000000e+00 : f32
      %broadcast_in_dim3A_60 = vector.broadcast %broadcast_in_dim3A_59 : f32 to vector<16xf32>
      %swap3A_61 = arith.index_cast %scan3A_49 : i32 to index
      %swap3A_62 = arith.constant 32 : index
      %swap3A_63 = tpu.vector_load %arg7[%swap3A_61, %swap3A_62] {strides = array<i32>} : memref<80x128xf32, #tpu.memory_space<vmem>>, vector<16xf32>,
      tpu.vector_store %arg7[%swap3A_61, %swap3A_62], %broadcast_in_dim3A_60 {strides = array<i32>} : memref<80x128xf32, #tpu.memory_space<vmem>>, vector<16xf32>,
      %broadcast_in_dim3A_64 = arith.constant 0.000000e+00 : f32
      %broadcast_in_dim3A_65 = vector.broadcast %broadcast_in_dim3A_64 : f32 to vector<16xf32>
      %swap3A_66 = arith.index_cast %scan3A_49 : i32 to index
      %swap3A_67 = arith.constant 48 : index
      %swap3A_68 = tpu.vector_load %arg7[%swap3A_66, %swap3A_67] {strides = array<i32>} : memref<80x128xf32, #tpu.memory_space<vmem>>, vector<16xf32>,
      tpu.vector_store %arg7[%swap3A_66, %swap3A_67], %broadcast_in_dim3A_65 {strides = array<i32>} : memref<80x128xf32, #tpu.memory_space<vmem>>, vector<16xf32>,
      %broadcast_in_dim3A_69 = arith.constant 0.000000e+00 : f32
      %broadcast_in_dim3A_70 = vector.broadcast %broadcast_in_dim3A_69 : f32 to vector<16xf32>
      %swap3A_71 = arith.index_cast %scan3A_49 : i32 to index
      %swap3A_72 = arith.constant 64 : index
      %swap3A_73 = tpu.vector_load %arg7[%swap3A_71, %swap3A_72] {strides = array<i32>} : memref<80x128xf32, #tpu.memory_space<vmem>>, vector<16xf32>,
      tpu.vector_store %arg7[%swap3A_71, %swap3A_72], %broadcast_in_dim3A_70 {strides = array<i32>} : memref<80x128xf32, #tpu.memory_space<vmem>>, vector<16xf32>,
      %broadcast_in_dim3A_74 = arith.constant 0.000000e+00 : f32
      %broadcast_in_dim3A_75 = vector.broadcast %broadcast_in_dim3A_74 : f32 to vector<16xf32>
      %swap3A_76 = arith.index_cast %scan3A_49 : i32 to index
      %swap3A_77 = arith.constant 80 : index
      %swap3A_78 = tpu.vector_load %arg7[%swap3A_76, %swap3A_77] {strides = array<i32>} : memref<80x128xf32, #tpu.memory_space<vmem>>, vector<16xf32>,
      tpu.vector_store %arg7[%swap3A_76, %swap3A_77], %broadcast_in_dim3A_75 {strides = array<i32>} : memref<80x128xf32, #tpu.memory_space<vmem>>, vector<16xf32>,
      %broadcast_in_dim3A_79 = arith.constant 0.000000e+00 : f32
      %broadcast_in_dim3A_80 = vector.broadcast %broadcast_in_dim3A_79 : f32 to vector<16xf32>
      %swap3A_81 = arith.index_cast %scan3A_49 : i32 to index
      %swap3A_82 = arith.constant 96 : index
      %swap3A_83 = tpu.vector_load %arg7[%swap3A_81, %swap3A_82] {strides = array<i32>} : memref<80x128xf32, #tpu.memory_space<vmem>>, vector<16xf32>,
      tpu.vector_store %arg7[%swap3A_81, %swap3A_82], %broadcast_in_dim3A_80 {strides = array<i32>} : memref<80x128xf32, #tpu.memory_space<vmem>>, vector<16xf32>,
      %broadcast_in_dim3A_84 = arith.constant 0.000000e+00 : f32
      %broadcast_in_dim3A_85 = vector.broadcast %broadcast_in_dim3A_84 : f32 to vector<16xf32>
      %swap3A_86 = arith.index_cast %scan3A_49 : i32 to index
      %swap3A_87 = arith.constant 112 : index
      %swap3A_88 = tpu.vector_load %arg7[%swap3A_86, %swap3A_87] {strides = array<i32>} : memref<80x128xf32, #tpu.memory_space<vmem>>, vector<16xf32>,
      tpu.vector_store %arg7[%swap3A_86, %swap3A_87], %broadcast_in_dim3A_85 {strides = array<i32>} : memref<80x128xf32, #tpu.memory_space<vmem>>, vector<16xf32>,
    }
    %scan3A_7 = arith.constant 80 : i32
    %eq3A = arith.constant 0 : i32
    %eq3A_8 = arith.cmpi eq, %arg1, %eq3A : i32
    %convert_element_type3A = arith.extui %eq3A_8 : i1 to i32
    %cond3A = arith.constant 0 : i32
    %cond3A_9 = arith.cmpi ne, %convert_element_type3A, %cond3A : i32
    scf.if %cond3A_9 {
      "tpu.region"() ({
        %run_scoped3A = tpu.sem_alloc : memref<!tpu.dma_semaphore, #tpu.memory_space<semaphore_mem>>
        tpu.enqueue_dma source(%arg7 : memref<80x128xf32, #tpu.memory_space<vmem>>) target(%arg9 : memref<80x128xf32, #tpu.memory_space<vmem_shared>>) target_semaphore(%run_scoped3A : memref<!tpu.dma_semaphore, #tpu.memory_space<semaphore_mem>>)
        tpu.wait_dma2 semaphore(%run_scoped3A : memref<!tpu.dma_semaphore, #tpu.memory_space<semaphore_mem>>) src(%arg7 : memref<80x128xf32, #tpu.memory_space<vmem>>) dst(%arg9 : memref<80x128xf32, #tpu.memory_space<vmem_shared>>)
        tpu.yield
      }) : () -> ()
    } else {
    }
    %iota3A = tpu.iota {dimensions = array<i32: 0>} : vector<16xi32>
    %add3A_10 = arith.constant 0 : i32
    %add3A_11 = vector.broadcast %add3A_10 : i32 to vector<16xi32>
    %add3A_12 = arith.addi %iota3A, %add3A_11 : vector<16xi32>
    %swap3A = arith.constant 0 : index
    %swap3A_13 = tpu.vector_load %arg8[%swap3A] {strides = array<i32>} : memref<80xi32, #tpu.memory_space<vmem>>, vector<16xi32>,
    tpu.vector_store %arg8[%swap3A], %add3A_12 {strides = array<i32>} : memref<80xi32, #tpu.memory_space<vmem>>, vector<16xi32>,
    %iota3A_14 = tpu.iota {dimensions = array<i32: 0>} : vector<16xi32>
    %add3A_15 = arith.constant 16 : i32
    %add3A_16 = vector.broadcast %add3A_15 : i32 to vector<16xi32>
    %add3A_17 = arith.addi %iota3A_14, %add3A_16 : vector<16xi32>
    %swap3A_18 = arith.constant 16 : index
    %swap3A_19 = tpu.vector_load %arg8[%swap3A_18] {strides = array<i32>} : memref<80xi32, #tpu.memory_space<vmem>>, vector<16xi32>,
    tpu.vector_store %arg8[%swap3A_18], %add3A_17 {strides = array<i32>} : memref<80xi32, #tpu.memory_space<vmem>>, vector<16xi32>,
    %iota3A_20 = tpu.iota {dimensions = array<i32: 0>} : vector<16xi32>
    %add3A_21 = arith.constant 32 : i32
    %add3A_22 = vector.broadcast %add3A_21 : i32 to vector<16xi32>
    %add3A_23 = arith.addi %iota3A_20, %add3A_22 : vector<16xi32>
    %swap3A_24 = arith.constant 32 : index
    %swap3A_25 = tpu.vector_load %arg8[%swap3A_24] {strides = array<i32>} : memref<80xi32, #tpu.memory_space<vmem>>, vector<16xi32>,
    tpu.vector_store %arg8[%swap3A_24], %add3A_23 {strides = array<i32>} : memref<80xi32, #tpu.memory_space<vmem>>, vector<16xi32>,
    %iota3A_26 = tpu.iota {dimensions = array<i32: 0>} : vector<16xi32>
    %add3A_27 = arith.constant 48 : i32
    %add3A_28 = vector.broadcast %add3A_27 : i32 to vector<16xi32>
    %add3A_29 = arith.addi %iota3A_26, %add3A_28 : vector<16xi32>
    %swap3A_30 = arith.constant 48 : index
    %swap3A_31 = tpu.vector_load %arg8[%swap3A_30] {strides = array<i32>} : memref<80xi32, #tpu.memory_space<vmem>>, vector<16xi32>,
    tpu.vector_store %arg8[%swap3A_30], %add3A_29 {strides = array<i32>} : memref<80xi32, #tpu.memory_space<vmem>>, vector<16xi32>,
    %iota3A_32 = tpu.iota {dimensions = array<i32: 0>} : vector<16xi32>
    %add3A_33 = arith.constant 64 : i32
    %add3A_34 = vector.broadcast %add3A_33 : i32 to vector<16xi32>
    %add3A_35 = arith.addi %iota3A_32, %add3A_34 : vector<16xi32>
    %swap3A_36 = arith.constant 64 : index
    %swap3A_37 = tpu.vector_load %arg8[%swap3A_36] {strides = array<i32>} : memref<80xi32, #tpu.memory_space<vmem>>, vector<16xi32>,
    tpu.vector_store %arg8[%swap3A_36], %add3A_35 {strides = array<i32>} : memref<80xi32, #tpu.memory_space<vmem>>, vector<16xi32>,
    %barrier3A = arith.constant 0 : index
    tpu.barrier barrier_id(%barrier3A)
    "tpu.region"() ({
      %run_scoped3A = tpu.sem_alloc : memref<!tpu.dma_semaphore, #tpu.memory_space<semaphore_mem>>
      %dma_start3A = tpu.memref_slice %arg2[%mul3A_2] : memref<320000xf32, #tpu.memory_space<hbm>> -> memref<10000xf32, #tpu.memory_space<hbm>>
      %dma_start3A_49 = tpu.memref_slice %arg2[%mul3A_2] : memref<320000xf32, #tpu.memory_space<hbm>> -> memref<10000xf32, #tpu.memory_space<hbm>>
      tpu.enqueue_dma source(%dma_start3A_49 : memref<10000xf32, #tpu.memory_space<hbm>>) target(%arg5 : memref<10000xf32, #tpu.memory_space<vmem>>) target_semaphore(%run_scoped3A : memref<!tpu.dma_semaphore, #tpu.memory_space<semaphore_mem>>)
      %dma_wait3A = tpu.memref_slice %arg2[%mul3A_2] : memref<320000xf32, #tpu.memory_space<hbm>> -> memref<10000xf32, #tpu.memory_space<hbm>>
      %dma_wait3A_50 = tpu.memref_slice %arg2[%mul3A_2] : memref<320000xf32, #tpu.memory_space<hbm>> -> memref<10000xf32, #tpu.memory_space<hbm>>
      tpu.wait_dma2 semaphore(%run_scoped3A : memref<!tpu.dma_semaphore, #tpu.memory_space<semaphore_mem>>) src(%dma_wait3A_50 : memref<10000xf32, #tpu.memory_space<hbm>>) dst(%arg5 : memref<10000xf32, #tpu.memory_space<vmem>>)
      tpu.yield
    }) : () -> ()
    "tpu.region"() ({
      %run_scoped3A = tpu.sem_alloc : memref<!tpu.dma_semaphore, #tpu.memory_space<semaphore_mem>>
      %dma_start3A = tpu.memref_slice %arg3[%mul3A_2] : memref<320000xi32, #tpu.memory_space<hbm>> -> memref<10000xi32, #tpu.memory_space<hbm>>
      %dma_start3A_49 = tpu.memref_slice %arg3[%mul3A_2] : memref<320000xi32, #tpu.memory_space<hbm>> -> memref<10000xi32, #tpu.memory_space<hbm>>
      tpu.enqueue_dma source(%dma_start3A_49 : memref<10000xi32, #tpu.memory_space<hbm>>) target(%arg6 : memref<10000xi32, #tpu.memory_space<vmem>>) target_semaphore(%run_scoped3A : memref<!tpu.dma_semaphore, #tpu.memory_space<semaphore_mem>>)
      %dma_wait3A = tpu.memref_slice %arg3[%mul3A_2] : memref<320000xi32, #tpu.memory_space<hbm>> -> memref<10000xi32, #tpu.memory_space<hbm>>
      %dma_wait3A_50 = tpu.memref_slice %arg3[%mul3A_2] : memref<320000xi32, #tpu.memory_space<hbm>> -> memref<10000xi32, #tpu.memory_space<hbm>>
      tpu.wait_dma2 semaphore(%run_scoped3A : memref<!tpu.dma_semaphore, #tpu.memory_space<semaphore_mem>>) src(%dma_wait3A_50 : memref<10000xi32, #tpu.memory_space<hbm>>) dst(%arg6 : memref<10000xi32, #tpu.memory_space<vmem>>)
      tpu.yield
    }) : () -> ()
    %scan3A_38 = arith.constant 0 : i32
    %scan3A_39 = arith.constant 0 : i32
    %scan3A_40 = arith.constant 625 : i32
    %scan3A_41 = arith.addi %scan3A_39, %scan3A_40 : i32
    %scan3A_42 = arith.constant 1 : i32
    scf.for %scan3A_49 = %scan3A_39 to %scan3A_41 step %scan3A_42  : i32 {
      %mul3A_50 = arith.constant 16 : i32
      %mul3A_51 = arith.muli %scan3A_49, %mul3A_50 : i32
      %get3A = arith.index_cast %mul3A_51 : i32 to index
      %get3A_52 = tpu.vector_load %arg6[%get3A] {strides = array<i32>} : memref<10000xi32, #tpu.memory_space<vmem>>, vector<16xi32>,
      %mul3A_53 = arith.constant 16 : i32
      %mul3A_54 = arith.muli %scan3A_49, %mul3A_53 : i32
      %get3A_55 = arith.index_cast %mul3A_54 : i32 to index
      %get3A_56 = tpu.vector_load %arg5[%get3A_55] {strides = array<i32>} : memref<10000xf32, #tpu.memory_space<vmem>>, vector<16xf32>,
      %exp3A = math.exp %get3A_56 : vector<16xf32>
      %shift_right_logical3A = arith.constant 7 : i32
      %shift_right_logical3A_57 = vector.broadcast %shift_right_logical3A : i32 to vector<16xi32>
      %shift_right_logical3A_58 = arith.shrui %get3A_52, %shift_right_logical3A_57 : vector<16xi32>
      %and3A = arith.constant 127 : i32
      %and3A_59 = vector.broadcast %and3A : i32 to vector<16xi32>
      %and3A_60 = arith.andi %get3A_52, %and3A_59 : vector<16xi32>
      tpu.vector_store_idx %arg7[%shift_right_logical3A_58, %and3A_60], %exp3A {add = true} : memref<80x128xf32, #tpu.memory_space<vmem>>[vector<16xi32>, vector<16xi32>], vector<16xf32>,
    }
    %scan3A_43 = arith.constant 625 : i32
    "tpu.region"() ({
      %run_scoped3A = tpu.sem_alloc : memref<!tpu.dma_semaphore, #tpu.memory_space<semaphore_mem>>
      %dma_start3A = arith.constant 0 : i32
      %dma_start3A_49 = arith.constant 0 : i32
      %dma_start3A_50 = tpu.memref_slice %arg9[%dma_start3A, %dma_start3A_49] : memref<80x128xf32, #tpu.memory_space<vmem_shared>> -> memref<80x128xf32, #tpu.memory_space<vmem_shared>>
      tpu.enqueue_indirect_dma source(%arg7 : memref<80x128xf32, #tpu.memory_space<vmem>>) target(%dma_start3A_50 : memref<80x128xf32, #tpu.memory_space<vmem_shared>>) offsets(%arg8 : memref<80xi32, #tpu.memory_space<vmem>>) semaphore(%run_scoped3A : memref<!tpu.dma_semaphore, #tpu.memory_space<semaphore_mem>>) {add = true}
      %dma_wait3A = arith.constant 0 : i32
      %dma_wait3A_51 = arith.constant 0 : i32
      %dma_wait3A_52 = tpu.memref_slice %arg9[%dma_wait3A, %dma_wait3A_51] : memref<80x128xf32, #tpu.memory_space<vmem_shared>> -> memref<80x128xf32, #tpu.memory_space<vmem_shared>>
      tpu.wait_indirect_dma semaphore(%run_scoped3A : memref<!tpu.dma_semaphore, #tpu.memory_space<semaphore_mem>>) src(%arg7 : memref<80x128xf32, #tpu.memory_space<vmem>>) dst(%dma_wait3A_52 : memref<80x128xf32, #tpu.memory_space<vmem_shared>>)
      tpu.yield
    }) : () -> ()
    %barrier3A_44 = arith.constant 0 : index
    tpu.barrier barrier_id(%barrier3A_44)
    %lt3A = arith.constant 10 : i32
    %lt3A_45 = arith.cmpi slt, %arg1, %lt3A : i32
    %convert_element_type3A_46 = arith.extui %lt3A_45 : i1 to i32
    %cond3A_47 = arith.constant 0 : i32
    %cond3A_48 = arith.cmpi ne, %convert_element_type3A_46, %cond3A_47 : i32
    scf.if %cond3A_48 {
      %mul3A_49 = arith.constant 8 : i32
      %mul3A_50 = arith.muli %arg1, %mul3A_49 : i32
      %mul3A_51 = arith.constant 80 : i32
      %mul3A_52 = arith.muli %arg0, %mul3A_51 : i32
      %mul3A_53 = arith.constant 8 : i32
      %mul3A_54 = arith.muli %arg1, %mul3A_53 : i32
      %add3A_55 = arith.addi %mul3A_52, %mul3A_54 : i32
      "tpu.region"() ({
        %run_scoped3A = tpu.sem_alloc : memref<!tpu.dma_semaphore, #tpu.memory_space<semaphore_mem>>
        %dma_start3A = arith.constant 0 : i32
        %dma_start3A_56 = tpu.memref_slice %arg4[%add3A_55, %dma_start3A] : memref<160x128xf32, #tpu.memory_space<hbm>> -> memref<8x128xf32, #tpu.memory_space<hbm>>
        %dma_start3A_57 = arith.constant 0 : i32
        %dma_start3A_58 = tpu.memref_slice %arg9[%mul3A_50, %dma_start3A_57] : memref<80x128xf32, #tpu.memory_space<vmem_shared>> -> memref<8x128xf32, #tpu.memory_space<vmem_shared>>
        tpu.enqueue_dma source(%dma_start3A_58 : memref<8x128xf32, #tpu.memory_space<vmem_shared>>) target(%dma_start3A_56 : memref<8x128xf32, #tpu.memory_space<hbm>>) target_semaphore(%run_scoped3A : memref<!tpu.dma_semaphore, #tpu.memory_space<semaphore_mem>>)
        %dma_wait3A = arith.constant 0 : i32
        %dma_wait3A_59 = tpu.memref_slice %arg4[%add3A_55, %dma_wait3A] : memref<160x128xf32, #tpu.memory_space<hbm>> -> memref<8x128xf32, #tpu.memory_space<hbm>>
        %dma_wait3A_60 = arith.constant 0 : i32
        %dma_wait3A_61 = tpu.memref_slice %arg9[%mul3A_50, %dma_wait3A_60] : memref<80x128xf32, #tpu.memory_space<vmem_shared>> -> memref<8x128xf32, #tpu.memory_space<vmem_shared>>
        tpu.wait_dma2 semaphore(%run_scoped3A : memref<!tpu.dma_semaphore, #tpu.memory_space<semaphore_mem>>) src(%dma_wait3A_61 : memref<8x128xf32, #tpu.memory_space<vmem_shared>>) dst(%dma_wait3A_59 : memref<8x128xf32, #tpu.memory_space<hbm>>)
        tpu.yield
      }) : () -> ()
    } else {
    }
    return
  }
}

#map = affine_map<(d0, d1) -> (0, 0)>
#map1 = affine_map<(d0, d1) -> (0)>
#map2 = affine_map<(d0, d1) -> (0, 0, 0)>
module attributes {stable_mosaic.version = 14 : i64} {
  func.func @_sc_main_body(%arg0: i32, %arg1: i32, %arg2: memref<320000x128xf32, #tpu.memory_space<hbm>>, %arg3: memref<320000xf32, #tpu.memory_space<hbm>>, %arg4: memref<32x125x80xi32, #tpu.memory_space<hbm>>, %arg5: memref<20480x128xf32, #tpu.memory_space<hbm>>, %arg6: memref<160x128xf32, #tpu.memory_space<vmem>>, %arg7: memref<125x80xi32, #tpu.memory_space<vmem>>, %arg8: memref<80xf32, #tpu.memory_space<vmem>>, %arg9: memref<80xf32, #tpu.memory_space<vmem>>, %arg10: memref<10240x128xf32, #tpu.memory_space<vmem_shared>>, %arg11: memref<!tpu.dma_semaphore, #tpu.memory_space<semaphore_mem>>, %arg12: memref<!tpu.dma_semaphore, #tpu.memory_space<semaphore_mem>>) attributes {dimension_semantics = [#tpu.dimension_semantics<core_parallel>, #tpu.dimension_semantics<subcore_parallel>], iteration_bounds = array<i64: 2, 16>, scalar_prefetch = 0 : i64, scratch_operands = 7 : i64, tpu.core_type = #tpu.core_type<sc_vector_subcore>, window_params = [{transform_indices = #map}, {transform_indices = #map1}, {transform_indices = #map2}, {transform_indices = #map}]} {
    %mul3A = arith.constant 16 : i32
    %mul3A_0 = arith.muli %arg0, %mul3A : i32
    %add3A = arith.addi %mul3A_0, %arg1 : i32
    %mul3A_1 = arith.constant 10000 : i32
    %mul3A_2 = arith.muli %add3A, %mul3A_1 : i32
    %scan3A = arith.constant 0 : i32
    %scan3A_3 = arith.constant 0 : i32
    %scan3A_4 = arith.constant 160 : i32
    %scan3A_5 = arith.addi %scan3A_3, %scan3A_4 : i32
    %scan3A_6 = arith.constant 1 : i32
    scf.for %scan3A_76 = %scan3A_3 to %scan3A_5 step %scan3A_6  : i32 {
      %broadcast_in_dim3A = arith.constant 0.000000e+00 : f32
      %broadcast_in_dim3A_77 = vector.broadcast %broadcast_in_dim3A : f32 to vector<16xf32>
      %swap3A = arith.index_cast %scan3A_76 : i32 to index
      %swap3A_78 = arith.constant 0 : index
      %swap3A_79 = tpu.vector_load %arg6[%swap3A, %swap3A_78] {strides = array<i32>} : memref<160x128xf32, #tpu.memory_space<vmem>>, vector<16xf32>,
      tpu.vector_store %arg6[%swap3A, %swap3A_78], %broadcast_in_dim3A_77 {strides = array<i32>} : memref<160x128xf32, #tpu.memory_space<vmem>>, vector<16xf32>,
      %broadcast_in_dim3A_80 = arith.constant 0.000000e+00 : f32
      %broadcast_in_dim3A_81 = vector.broadcast %broadcast_in_dim3A_80 : f32 to vector<16xf32>
      %swap3A_82 = arith.index_cast %scan3A_76 : i32 to index
      %swap3A_83 = arith.constant 16 : index
      %swap3A_84 = tpu.vector_load %arg6[%swap3A_82, %swap3A_83] {strides = array<i32>} : memref<160x128xf32, #tpu.memory_space<vmem>>, vector<16xf32>,
      tpu.vector_store %arg6[%swap3A_82, %swap3A_83], %broadcast_in_dim3A_81 {strides = array<i32>} : memref<160x128xf32, #tpu.memory_space<vmem>>, vector<16xf32>,
      %broadcast_in_dim3A_85 = arith.constant 0.000000e+00 : f32
      %broadcast_in_dim3A_86 = vector.broadcast %broadcast_in_dim3A_85 : f32 to vector<16xf32>
      %swap3A_87 = arith.index_cast %scan3A_76 : i32 to index
      %swap3A_88 = arith.constant 32 : index
      %swap3A_89 = tpu.vector_load %arg6[%swap3A_87, %swap3A_88] {strides = array<i32>} : memref<160x128xf32, #tpu.memory_space<vmem>>, vector<16xf32>,
      tpu.vector_store %arg6[%swap3A_87, %swap3A_88], %broadcast_in_dim3A_86 {strides = array<i32>} : memref<160x128xf32, #tpu.memory_space<vmem>>, vector<16xf32>,
      %broadcast_in_dim3A_90 = arith.constant 0.000000e+00 : f32
      %broadcast_in_dim3A_91 = vector.broadcast %broadcast_in_dim3A_90 : f32 to vector<16xf32>
      %swap3A_92 = arith.index_cast %scan3A_76 : i32 to index
      %swap3A_93 = arith.constant 48 : index
      %swap3A_94 = tpu.vector_load %arg6[%swap3A_92, %swap3A_93] {strides = array<i32>} : memref<160x128xf32, #tpu.memory_space<vmem>>, vector<16xf32>,
      tpu.vector_store %arg6[%swap3A_92, %swap3A_93], %broadcast_in_dim3A_91 {strides = array<i32>} : memref<160x128xf32, #tpu.memory_space<vmem>>, vector<16xf32>,
      %broadcast_in_dim3A_95 = arith.constant 0.000000e+00 : f32
      %broadcast_in_dim3A_96 = vector.broadcast %broadcast_in_dim3A_95 : f32 to vector<16xf32>
      %swap3A_97 = arith.index_cast %scan3A_76 : i32 to index
      %swap3A_98 = arith.constant 64 : index
      %swap3A_99 = tpu.vector_load %arg6[%swap3A_97, %swap3A_98] {strides = array<i32>} : memref<160x128xf32, #tpu.memory_space<vmem>>, vector<16xf32>,
      tpu.vector_store %arg6[%swap3A_97, %swap3A_98], %broadcast_in_dim3A_96 {strides = array<i32>} : memref<160x128xf32, #tpu.memory_space<vmem>>, vector<16xf32>,
      %broadcast_in_dim3A_100 = arith.constant 0.000000e+00 : f32
      %broadcast_in_dim3A_101 = vector.broadcast %broadcast_in_dim3A_100 : f32 to vector<16xf32>
      %swap3A_102 = arith.index_cast %scan3A_76 : i32 to index
      %swap3A_103 = arith.constant 80 : index
      %swap3A_104 = tpu.vector_load %arg6[%swap3A_102, %swap3A_103] {strides = array<i32>} : memref<160x128xf32, #tpu.memory_space<vmem>>, vector<16xf32>,
      tpu.vector_store %arg6[%swap3A_102, %swap3A_103], %broadcast_in_dim3A_101 {strides = array<i32>} : memref<160x128xf32, #tpu.memory_space<vmem>>, vector<16xf32>,
      %broadcast_in_dim3A_105 = arith.constant 0.000000e+00 : f32
      %broadcast_in_dim3A_106 = vector.broadcast %broadcast_in_dim3A_105 : f32 to vector<16xf32>
      %swap3A_107 = arith.index_cast %scan3A_76 : i32 to index
      %swap3A_108 = arith.constant 96 : index
      %swap3A_109 = tpu.vector_load %arg6[%swap3A_107, %swap3A_108] {strides = array<i32>} : memref<160x128xf32, #tpu.memory_space<vmem>>, vector<16xf32>,
      tpu.vector_store %arg6[%swap3A_107, %swap3A_108], %broadcast_in_dim3A_106 {strides = array<i32>} : memref<160x128xf32, #tpu.memory_space<vmem>>, vector<16xf32>,
      %broadcast_in_dim3A_110 = arith.constant 0.000000e+00 : f32
      %broadcast_in_dim3A_111 = vector.broadcast %broadcast_in_dim3A_110 : f32 to vector<16xf32>
      %swap3A_112 = arith.index_cast %scan3A_76 : i32 to index
      %swap3A_113 = arith.constant 112 : index
      %swap3A_114 = tpu.vector_load %arg6[%swap3A_112, %swap3A_113] {strides = array<i32>} : memref<160x128xf32, #tpu.memory_space<vmem>>, vector<16xf32>,
      tpu.vector_store %arg6[%swap3A_112, %swap3A_113], %broadcast_in_dim3A_111 {strides = array<i32>} : memref<160x128xf32, #tpu.memory_space<vmem>>, vector<16xf32>,
    }
    %scan3A_7 = arith.constant 160 : i32
    %mul3A_8 = arith.constant 640 : i32
    %mul3A_9 = arith.muli %arg1, %mul3A_8 : i32
    %add3A_10 = arith.constant 0 : i32
    %add3A_11 = arith.addi %mul3A_9, %add3A_10 : i32
    "tpu.region"() ({
      %run_scoped3A_76 = tpu.sem_alloc : memref<!tpu.dma_semaphore, #tpu.memory_space<semaphore_mem>>
      %dma_start3A_77 = arith.constant 0 : i32
      %dma_start3A_78 = tpu.memref_slice %arg10[%add3A_11, %dma_start3A_77] : memref<10240x128xf32, #tpu.memory_space<vmem_shared>> -> memref<160x128xf32, #tpu.memory_space<vmem_shared>>
      %dma_start3A_79 = arith.constant 0 : i32
      %dma_start3A_80 = tpu.memref_slice %arg10[%add3A_11, %dma_start3A_79] : memref<10240x128xf32, #tpu.memory_space<vmem_shared>> -> memref<160x128xf32, #tpu.memory_space<vmem_shared>>
      tpu.enqueue_dma source(%arg6 : memref<160x128xf32, #tpu.memory_space<vmem>>) target(%dma_start3A_80 : memref<160x128xf32, #tpu.memory_space<vmem_shared>>) target_semaphore(%run_scoped3A_76 : memref<!tpu.dma_semaphore, #tpu.memory_space<semaphore_mem>>)
      %dma_wait3A_81 = arith.constant 0 : i32
      %dma_wait3A_82 = tpu.memref_slice %arg10[%add3A_11, %dma_wait3A_81] : memref<10240x128xf32, #tpu.memory_space<vmem_shared>> -> memref<160x128xf32, #tpu.memory_space<vmem_shared>>
      %dma_wait3A_83 = arith.constant 0 : i32
      %dma_wait3A_84 = tpu.memref_slice %arg10[%add3A_11, %dma_wait3A_83] : memref<10240x128xf32, #tpu.memory_space<vmem_shared>> -> memref<160x128xf32, #tpu.memory_space<vmem_shared>>
      tpu.wait_dma2 semaphore(%run_scoped3A_76 : memref<!tpu.dma_semaphore, #tpu.memory_space<semaphore_mem>>) src(%arg6 : memref<160x128xf32, #tpu.memory_space<vmem>>) dst(%dma_wait3A_84 : memref<160x128xf32, #tpu.memory_space<vmem_shared>>)
      tpu.yield
    }) : () -> ()
    %add3A_12 = arith.constant 160 : i32
    %add3A_13 = arith.addi %mul3A_9, %add3A_12 : i32
    "tpu.region"() ({
      %run_scoped3A_76 = tpu.sem_alloc : memref<!tpu.dma_semaphore, #tpu.memory_space<semaphore_mem>>
      %dma_start3A_77 = arith.constant 0 : i32
      %dma_start3A_78 = tpu.memref_slice %arg10[%add3A_13, %dma_start3A_77] : memref<10240x128xf32, #tpu.memory_space<vmem_shared>> -> memref<160x128xf32, #tpu.memory_space<vmem_shared>>
      %dma_start3A_79 = arith.constant 0 : i32
      %dma_start3A_80 = tpu.memref_slice %arg10[%add3A_13, %dma_start3A_79] : memref<10240x128xf32, #tpu.memory_space<vmem_shared>> -> memref<160x128xf32, #tpu.memory_space<vmem_shared>>
      tpu.enqueue_dma source(%arg6 : memref<160x128xf32, #tpu.memory_space<vmem>>) target(%dma_start3A_80 : memref<160x128xf32, #tpu.memory_space<vmem_shared>>) target_semaphore(%run_scoped3A_76 : memref<!tpu.dma_semaphore, #tpu.memory_space<semaphore_mem>>)
      %dma_wait3A_81 = arith.constant 0 : i32
      %dma_wait3A_82 = tpu.memref_slice %arg10[%add3A_13, %dma_wait3A_81] : memref<10240x128xf32, #tpu.memory_space<vmem_shared>> -> memref<160x128xf32, #tpu.memory_space<vmem_shared>>
      %dma_wait3A_83 = arith.constant 0 : i32
      %dma_wait3A_84 = tpu.memref_slice %arg10[%add3A_13, %dma_wait3A_83] : memref<10240x128xf32, #tpu.memory_space<vmem_shared>> -> memref<160x128xf32, #tpu.memory_space<vmem_shared>>
      tpu.wait_dma2 semaphore(%run_scoped3A_76 : memref<!tpu.dma_semaphore, #tpu.memory_space<semaphore_mem>>) src(%arg6 : memref<160x128xf32, #tpu.memory_space<vmem>>) dst(%dma_wait3A_84 : memref<160x128xf32, #tpu.memory_space<vmem_shared>>)
      tpu.yield
    }) : () -> ()
    %add3A_14 = arith.constant 320 : i32
    %add3A_15 = arith.addi %mul3A_9, %add3A_14 : i32
    "tpu.region"() ({
      %run_scoped3A_76 = tpu.sem_alloc : memref<!tpu.dma_semaphore, #tpu.memory_space<semaphore_mem>>
      %dma_start3A_77 = arith.constant 0 : i32
      %dma_start3A_78 = tpu.memref_slice %arg10[%add3A_15, %dma_start3A_77] : memref<10240x128xf32, #tpu.memory_space<vmem_shared>> -> memref<160x128xf32, #tpu.memory_space<vmem_shared>>
      %dma_start3A_79 = arith.constant 0 : i32
      %dma_start3A_80 = tpu.memref_slice %arg10[%add3A_15, %dma_start3A_79] : memref<10240x128xf32, #tpu.memory_space<vmem_shared>> -> memref<160x128xf32, #tpu.memory_space<vmem_shared>>
      tpu.enqueue_dma source(%arg6 : memref<160x128xf32, #tpu.memory_space<vmem>>) target(%dma_start3A_80 : memref<160x128xf32, #tpu.memory_space<vmem_shared>>) target_semaphore(%run_scoped3A_76 : memref<!tpu.dma_semaphore, #tpu.memory_space<semaphore_mem>>)
      %dma_wait3A_81 = arith.constant 0 : i32
      %dma_wait3A_82 = tpu.memref_slice %arg10[%add3A_15, %dma_wait3A_81] : memref<10240x128xf32, #tpu.memory_space<vmem_shared>> -> memref<160x128xf32, #tpu.memory_space<vmem_shared>>
      %dma_wait3A_83 = arith.constant 0 : i32
      %dma_wait3A_84 = tpu.memref_slice %arg10[%add3A_15, %dma_wait3A_83] : memref<10240x128xf32, #tpu.memory_space<vmem_shared>> -> memref<160x128xf32, #tpu.memory_space<vmem_shared>>
      tpu.wait_dma2 semaphore(%run_scoped3A_76 : memref<!tpu.dma_semaphore, #tpu.memory_space<semaphore_mem>>) src(%arg6 : memref<160x128xf32, #tpu.memory_space<vmem>>) dst(%dma_wait3A_84 : memref<160x128xf32, #tpu.memory_space<vmem_shared>>)
      tpu.yield
    }) : () -> ()
    %add3A_16 = arith.constant 480 : i32
    %add3A_17 = arith.addi %mul3A_9, %add3A_16 : i32
    "tpu.region"() ({
      %run_scoped3A_76 = tpu.sem_alloc : memref<!tpu.dma_semaphore, #tpu.memory_space<semaphore_mem>>
      %dma_start3A_77 = arith.constant 0 : i32
      %dma_start3A_78 = tpu.memref_slice %arg10[%add3A_17, %dma_start3A_77] : memref<10240x128xf32, #tpu.memory_space<vmem_shared>> -> memref<160x128xf32, #tpu.memory_space<vmem_shared>>
      %dma_start3A_79 = arith.constant 0 : i32
      %dma_start3A_80 = tpu.memref_slice %arg10[%add3A_17, %dma_start3A_79] : memref<10240x128xf32, #tpu.memory_space<vmem_shared>> -> memref<160x128xf32, #tpu.memory_space<vmem_shared>>
      tpu.enqueue_dma source(%arg6 : memref<160x128xf32, #tpu.memory_space<vmem>>) target(%dma_start3A_80 : memref<160x128xf32, #tpu.memory_space<vmem_shared>>) target_semaphore(%run_scoped3A_76 : memref<!tpu.dma_semaphore, #tpu.memory_space<semaphore_mem>>)
      %dma_wait3A_81 = arith.constant 0 : i32
      %dma_wait3A_82 = tpu.memref_slice %arg10[%add3A_17, %dma_wait3A_81] : memref<10240x128xf32, #tpu.memory_space<vmem_shared>> -> memref<160x128xf32, #tpu.memory_space<vmem_shared>>
      %dma_wait3A_83 = arith.constant 0 : i32
      %dma_wait3A_84 = tpu.memref_slice %arg10[%add3A_17, %dma_wait3A_83] : memref<10240x128xf32, #tpu.memory_space<vmem_shared>> -> memref<160x128xf32, #tpu.memory_space<vmem_shared>>
      tpu.wait_dma2 semaphore(%run_scoped3A_76 : memref<!tpu.dma_semaphore, #tpu.memory_space<semaphore_mem>>) src(%arg6 : memref<160x128xf32, #tpu.memory_space<vmem>>) dst(%dma_wait3A_84 : memref<160x128xf32, #tpu.memory_space<vmem_shared>>)
      tpu.yield
    }) : () -> ()
    %barrier3A = arith.constant 0 : index
    tpu.barrier barrier_id(%barrier3A)
    "tpu.region"() ({
      %run_scoped3A_76 = tpu.sem_alloc : memref<!tpu.dma_semaphore, #tpu.memory_space<semaphore_mem>>
      %dma_start3A_77 = arith.constant 0 : i32
      %dma_start3A_78 = arith.constant 0 : i32
      %dma_start3A_79 = tpu.memref_slice %arg4[%add3A, %dma_start3A_77, %dma_start3A_78] : memref<32x125x80xi32, #tpu.memory_space<hbm>> -> memref<1x125x80xi32, #tpu.memory_space<hbm>>
      %dma_start3A_80 = tpu.memref_squeeze %dma_start3A_79 : memref<1x125x80xi32, #tpu.memory_space<hbm>> -> memref<125x80xi32, #tpu.memory_space<hbm>>
      %dma_start3A_81 = arith.constant 0 : i32
      %dma_start3A_82 = arith.constant 0 : i32
      %dma_start3A_83 = tpu.memref_slice %arg4[%add3A, %dma_start3A_81, %dma_start3A_82] : memref<32x125x80xi32, #tpu.memory_space<hbm>> -> memref<1x125x80xi32, #tpu.memory_space<hbm>>
      %dma_start3A_84 = tpu.memref_squeeze %dma_start3A_83 : memref<1x125x80xi32, #tpu.memory_space<hbm>> -> memref<125x80xi32, #tpu.memory_space<hbm>>
      tpu.enqueue_dma source(%dma_start3A_84 : memref<125x80xi32, #tpu.memory_space<hbm>>) target(%arg7 : memref<125x80xi32, #tpu.memory_space<vmem>>) target_semaphore(%run_scoped3A_76 : memref<!tpu.dma_semaphore, #tpu.memory_space<semaphore_mem>>)
      %dma_wait3A_85 = arith.constant 0 : i32
      %dma_wait3A_86 = arith.constant 0 : i32
      %dma_wait3A_87 = tpu.memref_slice %arg4[%add3A, %dma_wait3A_85, %dma_wait3A_86] : memref<32x125x80xi32, #tpu.memory_space<hbm>> -> memref<1x125x80xi32, #tpu.memory_space<hbm>>
      %dma_wait3A_88 = tpu.memref_squeeze %dma_wait3A_87 : memref<1x125x80xi32, #tpu.memory_space<hbm>> -> memref<125x80xi32, #tpu.memory_space<hbm>>
      %dma_wait3A_89 = arith.constant 0 : i32
      %dma_wait3A_90 = arith.constant 0 : i32
      %dma_wait3A_91 = tpu.memref_slice %arg4[%add3A, %dma_wait3A_89, %dma_wait3A_90] : memref<32x125x80xi32, #tpu.memory_space<hbm>> -> memref<1x125x80xi32, #tpu.memory_space<hbm>>
      %dma_wait3A_92 = tpu.memref_squeeze %dma_wait3A_91 : memref<1x125x80xi32, #tpu.memory_space<hbm>> -> memref<125x80xi32, #tpu.memory_space<hbm>>
      tpu.wait_dma2 semaphore(%run_scoped3A_76 : memref<!tpu.dma_semaphore, #tpu.memory_space<semaphore_mem>>) src(%dma_wait3A_92 : memref<125x80xi32, #tpu.memory_space<hbm>>) dst(%arg7 : memref<125x80xi32, #tpu.memory_space<vmem>>)
      tpu.yield
    }) : () -> ()
    %add3A_18 = arith.constant 0 : i32
    %add3A_19 = arith.addi %mul3A_2, %add3A_18 : i32
    %dma_start3A = arith.constant 0 : i32
    %dma_start3A_20 = arith.constant 0 : i32
    %dma_start3A_21 = tpu.memref_slice %arg6[%dma_start3A, %dma_start3A_20] : memref<160x128xf32, #tpu.memory_space<vmem>> -> memref<80x128xf32, #tpu.memory_space<vmem>>
    %dma_start3A_22 = arith.constant 0 : i32
    %dma_start3A_23 = tpu.memref_slice %arg2[%add3A_19, %dma_start3A_22] : memref<320000x128xf32, #tpu.memory_space<hbm>> -> memref<80x128xf32, #tpu.memory_space<hbm>>
    %dma_start3A_24 = arith.constant 0 : i32
    %dma_start3A_25 = arith.constant 0 : i32
    %dma_start3A_26 = tpu.memref_slice %arg6[%dma_start3A_24, %dma_start3A_25] : memref<160x128xf32, #tpu.memory_space<vmem>> -> memref<80x128xf32, #tpu.memory_space<vmem>>
    %dma_start3A_27 = arith.constant 0 : i32
    %dma_start3A_28 = tpu.memref_slice %arg2[%add3A_19, %dma_start3A_27] : memref<320000x128xf32, #tpu.memory_space<hbm>> -> memref<80x128xf32, #tpu.memory_space<hbm>>
    tpu.enqueue_dma source(%dma_start3A_28 : memref<80x128xf32, #tpu.memory_space<hbm>>) target(%dma_start3A_26 : memref<80x128xf32, #tpu.memory_space<vmem>>) target_semaphore(%arg11 : memref<!tpu.dma_semaphore, #tpu.memory_space<semaphore_mem>>)
    %dma_start3A_29 = tpu.memref_slice %arg3[%add3A_19] : memref<320000xf32, #tpu.memory_space<hbm>> -> memref<80xf32, #tpu.memory_space<hbm>>
    %dma_start3A_30 = tpu.memref_slice %arg3[%add3A_19] : memref<320000xf32, #tpu.memory_space<hbm>> -> memref<80xf32, #tpu.memory_space<hbm>>
    tpu.enqueue_dma source(%dma_start3A_30 : memref<80xf32, #tpu.memory_space<hbm>>) target(%arg8 : memref<80xf32, #tpu.memory_space<vmem>>) target_semaphore(%arg11 : memref<!tpu.dma_semaphore, #tpu.memory_space<semaphore_mem>>)
    %scan3A_31 = arith.constant 0 : i32
    %scan3A_32 = arith.constant 0 : i32
    %scan3A_33 = arith.constant 62 : i32
    %scan3A_34 = arith.addi %scan3A_32, %scan3A_33 : i32
    %scan3A_35 = arith.constant 1 : i32
    scf.for %scan3A_76 = %scan3A_32 to %scan3A_34 step %scan3A_35  : i32 {
      %mul3A_77 = arith.constant 2 : i32
      %mul3A_78 = arith.muli %mul3A_77, %scan3A_76 : i32
      %add3A_79 = arith.constant 0 : i32
      %add3A_80 = arith.addi %mul3A_78, %add3A_79 : i32
      %mul3A_81 = arith.constant 80 : i32
      %mul3A_82 = arith.muli %add3A_80, %mul3A_81 : i32
      %add3A_83 = arith.addi %mul3A_2, %mul3A_82 : i32
      %dma_wait3A_84 = arith.constant 0 : i32
      %dma_wait3A_85 = arith.constant 0 : i32
      %dma_wait3A_86 = tpu.memref_slice %arg6[%dma_wait3A_84, %dma_wait3A_85] : memref<160x128xf32, #tpu.memory_space<vmem>> -> memref<80x128xf32, #tpu.memory_space<vmem>>
      %dma_wait3A_87 = arith.constant 0 : i32
      %dma_wait3A_88 = tpu.memref_slice %arg2[%add3A_83, %dma_wait3A_87] : memref<320000x128xf32, #tpu.memory_space<hbm>> -> memref<80x128xf32, #tpu.memory_space<hbm>>
      %dma_wait3A_89 = arith.constant 0 : i32
      %dma_wait3A_90 = arith.constant 0 : i32
      %dma_wait3A_91 = tpu.memref_slice %arg6[%dma_wait3A_89, %dma_wait3A_90] : memref<160x128xf32, #tpu.memory_space<vmem>> -> memref<80x128xf32, #tpu.memory_space<vmem>>
      %dma_wait3A_92 = arith.constant 0 : i32
      %dma_wait3A_93 = tpu.memref_slice %arg2[%add3A_83, %dma_wait3A_92] : memref<320000x128xf32, #tpu.memory_space<hbm>> -> memref<80x128xf32, #tpu.memory_space<hbm>>
      tpu.wait_dma2 semaphore(%arg11 : memref<!tpu.dma_semaphore, #tpu.memory_space<semaphore_mem>>) src(%dma_wait3A_93 : memref<80x128xf32, #tpu.memory_space<hbm>>) dst(%dma_wait3A_91 : memref<80x128xf32, #tpu.memory_space<vmem>>)
      %dma_wait3A_94 = tpu.memref_slice %arg3[%add3A_83] : memref<320000xf32, #tpu.memory_space<hbm>> -> memref<80xf32, #tpu.memory_space<hbm>>
      %dma_wait3A_95 = tpu.memref_slice %arg3[%add3A_83] : memref<320000xf32, #tpu.memory_space<hbm>> -> memref<80xf32, #tpu.memory_space<hbm>>
      tpu.wait_dma2 semaphore(%arg11 : memref<!tpu.dma_semaphore, #tpu.memory_space<semaphore_mem>>) src(%dma_wait3A_95 : memref<80xf32, #tpu.memory_space<hbm>>) dst(%arg8 : memref<80xf32, #tpu.memory_space<vmem>>)
      %add3A_96 = arith.constant 1 : i32
      %add3A_97 = arith.addi %add3A_80, %add3A_96 : i32
      %mul3A_98 = arith.constant 80 : i32
      %mul3A_99 = arith.muli %add3A_97, %mul3A_98 : i32
      %add3A_100 = arith.addi %mul3A_2, %mul3A_99 : i32
      %dma_start3A_101 = arith.constant 80 : i32
      %dma_start3A_102 = arith.constant 0 : i32
      %dma_start3A_103 = tpu.memref_slice %arg6[%dma_start3A_101, %dma_start3A_102] : memref<160x128xf32, #tpu.memory_space<vmem>> -> memref<80x128xf32, #tpu.memory_space<vmem>>
      %dma_start3A_104 = arith.constant 0 : i32
      %dma_start3A_105 = tpu.memref_slice %arg2[%add3A_100, %dma_start3A_104] : memref<320000x128xf32, #tpu.memory_space<hbm>> -> memref<80x128xf32, #tpu.memory_space<hbm>>
      %dma_start3A_106 = arith.constant 80 : i32
      %dma_start3A_107 = arith.constant 0 : i32
      %dma_start3A_108 = tpu.memref_slice %arg6[%dma_start3A_106, %dma_start3A_107] : memref<160x128xf32, #tpu.memory_space<vmem>> -> memref<80x128xf32, #tpu.memory_space<vmem>>
      %dma_start3A_109 = arith.constant 0 : i32
      %dma_start3A_110 = tpu.memref_slice %arg2[%add3A_100, %dma_start3A_109] : memref<320000x128xf32, #tpu.memory_space<hbm>> -> memref<80x128xf32, #tpu.memory_space<hbm>>
      tpu.enqueue_dma source(%dma_start3A_110 : memref<80x128xf32, #tpu.memory_space<hbm>>) target(%dma_start3A_108 : memref<80x128xf32, #tpu.memory_space<vmem>>) target_semaphore(%arg12 : memref<!tpu.dma_semaphore, #tpu.memory_space<semaphore_mem>>)
      %dma_start3A_111 = tpu.memref_slice %arg3[%add3A_100] : memref<320000xf32, #tpu.memory_space<hbm>> -> memref<80xf32, #tpu.memory_space<hbm>>
      %dma_start3A_112 = tpu.memref_slice %arg3[%add3A_100] : memref<320000xf32, #tpu.memory_space<hbm>> -> memref<80xf32, #tpu.memory_space<hbm>>
      tpu.enqueue_dma source(%dma_start3A_112 : memref<80xf32, #tpu.memory_space<hbm>>) target(%arg9 : memref<80xf32, #tpu.memory_space<vmem>>) target_semaphore(%arg12 : memref<!tpu.dma_semaphore, #tpu.memory_space<semaphore_mem>>)
      %scan3A_113 = arith.constant 0 : i32
      %scan3A_114 = arith.constant 0 : i32
      %scan3A_115 = arith.constant 80 : i32
      %scan3A_116 = arith.addi %scan3A_114, %scan3A_115 : i32
      %scan3A_117 = arith.constant 1 : i32
      scf.for %scan3A_161 = %scan3A_114 to %scan3A_116 step %scan3A_117  : i32 {
        %broadcast_in_dim3A = vector.broadcast %scan3A_161 : i32 to vector<16xi32>
        %gather3A = tpu.vector_load_idx %arg8[%broadcast_in_dim3A] : memref<80xf32, #tpu.memory_space<vmem>>[vector<16xi32>], vector<16xf32>,
        %add3A_162 = arith.constant 0 : i32
        %add3A_163 = arith.addi %add3A_162, %scan3A_161 : i32
        %get3A = arith.index_cast %add3A_163 : i32 to index
        %get3A_164 = arith.constant 0 : index
        %get3A_165 = tpu.vector_load %arg6[%get3A, %get3A_164] {strides = array<i32>} : memref<160x128xf32, #tpu.memory_space<vmem>>, vector<16xf32>,
        %add3A_166 = arith.addf %get3A_165, %gather3A : vector<16xf32>
        %exp3A = math.exp %add3A_166 : vector<16xf32>
        %swap3A = arith.index_cast %add3A_163 : i32 to index
        %swap3A_167 = arith.constant 0 : index
        %swap3A_168 = tpu.vector_load %arg6[%swap3A, %swap3A_167] {strides = array<i32>} : memref<160x128xf32, #tpu.memory_space<vmem>>, vector<16xf32>,
        tpu.vector_store %arg6[%swap3A, %swap3A_167], %exp3A {strides = array<i32>} : memref<160x128xf32, #tpu.memory_space<vmem>>, vector<16xf32>,
        %get3A_169 = arith.index_cast %add3A_163 : i32 to index
        %get3A_170 = arith.constant 16 : index
        %get3A_171 = tpu.vector_load %arg6[%get3A_169, %get3A_170] {strides = array<i32>} : memref<160x128xf32, #tpu.memory_space<vmem>>, vector<16xf32>,
        %add3A_172 = arith.addf %get3A_171, %gather3A : vector<16xf32>
        %exp3A_173 = math.exp %add3A_172 : vector<16xf32>
        %swap3A_174 = arith.index_cast %add3A_163 : i32 to index
        %swap3A_175 = arith.constant 16 : index
        %swap3A_176 = tpu.vector_load %arg6[%swap3A_174, %swap3A_175] {strides = array<i32>} : memref<160x128xf32, #tpu.memory_space<vmem>>, vector<16xf32>,
        tpu.vector_store %arg6[%swap3A_174, %swap3A_175], %exp3A_173 {strides = array<i32>} : memref<160x128xf32, #tpu.memory_space<vmem>>, vector<16xf32>,
        %get3A_177 = arith.index_cast %add3A_163 : i32 to index
        %get3A_178 = arith.constant 32 : index
        %get3A_179 = tpu.vector_load %arg6[%get3A_177, %get3A_178] {strides = array<i32>} : memref<160x128xf32, #tpu.memory_space<vmem>>, vector<16xf32>,
        %add3A_180 = arith.addf %get3A_179, %gather3A : vector<16xf32>
        %exp3A_181 = math.exp %add3A_180 : vector<16xf32>
        %swap3A_182 = arith.index_cast %add3A_163 : i32 to index
        %swap3A_183 = arith.constant 32 : index
        %swap3A_184 = tpu.vector_load %arg6[%swap3A_182, %swap3A_183] {strides = array<i32>} : memref<160x128xf32, #tpu.memory_space<vmem>>, vector<16xf32>,
        tpu.vector_store %arg6[%swap3A_182, %swap3A_183], %exp3A_181 {strides = array<i32>} : memref<160x128xf32, #tpu.memory_space<vmem>>, vector<16xf32>,
        %get3A_185 = arith.index_cast %add3A_163 : i32 to index
        %get3A_186 = arith.constant 48 : index
        %get3A_187 = tpu.vector_load %arg6[%get3A_185, %get3A_186] {strides = array<i32>} : memref<160x128xf32, #tpu.memory_space<vmem>>, vector<16xf32>,
        %add3A_188 = arith.addf %get3A_187, %gather3A : vector<16xf32>
        %exp3A_189 = math.exp %add3A_188 : vector<16xf32>
        %swap3A_190 = arith.index_cast %add3A_163 : i32 to index
        %swap3A_191 = arith.constant 48 : index
        %swap3A_192 = tpu.vector_load %arg6[%swap3A_190, %swap3A_191] {strides = array<i32>} : memref<160x128xf32, #tpu.memory_space<vmem>>, vector<16xf32>,
        tpu.vector_store %arg6[%swap3A_190, %swap3A_191], %exp3A_189 {strides = array<i32>} : memref<160x128xf32, #tpu.memory_space<vmem>>, vector<16xf32>,
        %get3A_193 = arith.index_cast %add3A_163 : i32 to index
        %get3A_194 = arith.constant 64 : index
        %get3A_195 = tpu.vector_load %arg6[%get3A_193, %get3A_194] {strides = array<i32>} : memref<160x128xf32, #tpu.memory_space<vmem>>, vector<16xf32>,
        %add3A_196 = arith.addf %get3A_195, %gather3A : vector<16xf32>
        %exp3A_197 = math.exp %add3A_196 : vector<16xf32>
        %swap3A_198 = arith.index_cast %add3A_163 : i32 to index
        %swap3A_199 = arith.constant 64 : index
        %swap3A_200 = tpu.vector_load %arg6[%swap3A_198, %swap3A_199] {strides = array<i32>} : memref<160x128xf32, #tpu.memory_space<vmem>>, vector<16xf32>,
        tpu.vector_store %arg6[%swap3A_198, %swap3A_199], %exp3A_197 {strides = array<i32>} : memref<160x128xf32, #tpu.memory_space<vmem>>, vector<16xf32>,
        %get3A_201 = arith.index_cast %add3A_163 : i32 to index
        %get3A_202 = arith.constant 80 : index
        %get3A_203 = tpu.vector_load %arg6[%get3A_201, %get3A_202] {strides = array<i32>} : memref<160x128xf32, #tpu.memory_space<vmem>>, vector<16xf32>,
        %add3A_204 = arith.addf %get3A_203, %gather3A : vector<16xf32>
        %exp3A_205 = math.exp %add3A_204 : vector<16xf32>
        %swap3A_206 = arith.index_cast %add3A_163 : i32 to index
        %swap3A_207 = arith.constant 80 : index
        %swap3A_208 = tpu.vector_load %arg6[%swap3A_206, %swap3A_207] {strides = array<i32>} : memref<160x128xf32, #tpu.memory_space<vmem>>, vector<16xf32>,
        tpu.vector_store %arg6[%swap3A_206, %swap3A_207], %exp3A_205 {strides = array<i32>} : memref<160x128xf32, #tpu.memory_space<vmem>>, vector<16xf32>,
        %get3A_209 = arith.index_cast %add3A_163 : i32 to index
        %get3A_210 = arith.constant 96 : index
        %get3A_211 = tpu.vector_load %arg6[%get3A_209, %get3A_210] {strides = array<i32>} : memref<160x128xf32, #tpu.memory_space<vmem>>, vector<16xf32>,
        %add3A_212 = arith.addf %get3A_211, %gather3A : vector<16xf32>
        %exp3A_213 = math.exp %add3A_212 : vector<16xf32>
        %swap3A_214 = arith.index_cast %add3A_163 : i32 to index
        %swap3A_215 = arith.constant 96 : index
        %swap3A_216 = tpu.vector_load %arg6[%swap3A_214, %swap3A_215] {strides = array<i32>} : memref<160x128xf32, #tpu.memory_space<vmem>>, vector<16xf32>,
        tpu.vector_store %arg6[%swap3A_214, %swap3A_215], %exp3A_213 {strides = array<i32>} : memref<160x128xf32, #tpu.memory_space<vmem>>, vector<16xf32>,
        %get3A_217 = arith.index_cast %add3A_163 : i32 to index
        %get3A_218 = arith.constant 112 : index
        %get3A_219 = tpu.vector_load %arg6[%get3A_217, %get3A_218] {strides = array<i32>} : memref<160x128xf32, #tpu.memory_space<vmem>>, vector<16xf32>,
        %add3A_220 = arith.addf %get3A_219, %gather3A : vector<16xf32>
        %exp3A_221 = math.exp %add3A_220 : vector<16xf32>
        %swap3A_222 = arith.index_cast %add3A_163 : i32 to index
        %swap3A_223 = arith.constant 112 : index
        %swap3A_224 = tpu.vector_load %arg6[%swap3A_222, %swap3A_223] {strides = array<i32>} : memref<160x128xf32, #tpu.memory_space<vmem>>, vector<16xf32>,
        tpu.vector_store %arg6[%swap3A_222, %swap3A_223], %exp3A_221 {strides = array<i32>} : memref<160x128xf32, #tpu.memory_space<vmem>>, vector<16xf32>,
      }
      %scan3A_118 = arith.constant 80 : i32
      "tpu.region"() ({
        %run_scoped3A_161 = tpu.sem_alloc : memref<!tpu.dma_semaphore, #tpu.memory_space<semaphore_mem>>
        %dma_start3A_162 = arith.constant 0 : i32
        %dma_start3A_163 = arith.constant 0 : i32
        %dma_start3A_164 = tpu.memref_slice %arg6[%dma_start3A_162, %dma_start3A_163] : memref<160x128xf32, #tpu.memory_space<vmem>> -> memref<80x128xf32, #tpu.memory_space<vmem>>
        %dma_start3A_165 = arith.constant 0 : i32
        %dma_start3A_166 = tpu.memref_slice %arg7[%add3A_80, %dma_start3A_165] : memref<125x80xi32, #tpu.memory_space<vmem>> -> memref<1x80xi32, #tpu.memory_space<vmem>>
        %dma_start3A_167 = tpu.memref_squeeze %dma_start3A_166 : memref<1x80xi32, #tpu.memory_space<vmem>> -> memref<80xi32, #tpu.memory_space<vmem>>
        %dma_start3A_168 = arith.constant 0 : i32
        %dma_start3A_169 = arith.constant 0 : i32
        %dma_start3A_170 = tpu.memref_slice %arg10[%dma_start3A_168, %dma_start3A_169] : memref<10240x128xf32, #tpu.memory_space<vmem_shared>> -> memref<10240x128xf32, #tpu.memory_space<vmem_shared>>
        tpu.enqueue_indirect_dma source(%dma_start3A_164 : memref<80x128xf32, #tpu.memory_space<vmem>>) target(%dma_start3A_170 : memref<10240x128xf32, #tpu.memory_space<vmem_shared>>) offsets(%dma_start3A_167 : memref<80xi32, #tpu.memory_space<vmem>>) semaphore(%run_scoped3A_161 : memref<!tpu.dma_semaphore, #tpu.memory_space<semaphore_mem>>) {add = true}
        %dma_wait3A_171 = arith.constant 0 : i32
        %dma_wait3A_172 = arith.constant 0 : i32
        %dma_wait3A_173 = tpu.memref_slice %arg6[%dma_wait3A_171, %dma_wait3A_172] : memref<160x128xf32, #tpu.memory_space<vmem>> -> memref<80x128xf32, #tpu.memory_space<vmem>>
        %dma_wait3A_174 = arith.constant 0 : i32
        %dma_wait3A_175 = tpu.memref_slice %arg7[%add3A_80, %dma_wait3A_174] : memref<125x80xi32, #tpu.memory_space<vmem>> -> memref<1x80xi32, #tpu.memory_space<vmem>>
        %dma_wait3A_176 = tpu.memref_squeeze %dma_wait3A_175 : memref<1x80xi32, #tpu.memory_space<vmem>> -> memref<80xi32, #tpu.memory_space<vmem>>
        %dma_wait3A_177 = arith.constant 0 : i32
        %dma_wait3A_178 = arith.constant 0 : i32
        %dma_wait3A_179 = tpu.memref_slice %arg10[%dma_wait3A_177, %dma_wait3A_178] : memref<10240x128xf32, #tpu.memory_space<vmem_shared>> -> memref<10240x128xf32, #tpu.memory_space<vmem_shared>>
        tpu.wait_indirect_dma semaphore(%run_scoped3A_161 : memref<!tpu.dma_semaphore, #tpu.memory_space<semaphore_mem>>) src(%dma_wait3A_173 : memref<80x128xf32, #tpu.memory_space<vmem>>) dst(%dma_wait3A_179 : memref<10240x128xf32, #tpu.memory_space<vmem_shared>>)
        tpu.yield
      }) : () -> ()
      %mul3A_119 = arith.constant 2 : i32
      %mul3A_120 = arith.muli %mul3A_119, %scan3A_76 : i32
      %add3A_121 = arith.constant 1 : i32
      %add3A_122 = arith.addi %mul3A_120, %add3A_121 : i32
      %mul3A_123 = arith.constant 80 : i32
      %mul3A_124 = arith.muli %add3A_122, %mul3A_123 : i32
      %add3A_125 = arith.addi %mul3A_2, %mul3A_124 : i32
      %dma_wait3A_126 = arith.constant 80 : i32
      %dma_wait3A_127 = arith.constant 0 : i32
      %dma_wait3A_128 = tpu.memref_slice %arg6[%dma_wait3A_126, %dma_wait3A_127] : memref<160x128xf32, #tpu.memory_space<vmem>> -> memref<80x128xf32, #tpu.memory_space<vmem>>
      %dma_wait3A_129 = arith.constant 0 : i32
      %dma_wait3A_130 = tpu.memref_slice %arg2[%add3A_125, %dma_wait3A_129] : memref<320000x128xf32, #tpu.memory_space<hbm>> -> memref<80x128xf32, #tpu.memory_space<hbm>>
      %dma_wait3A_131 = arith.constant 80 : i32
      %dma_wait3A_132 = arith.constant 0 : i32
      %dma_wait3A_133 = tpu.memref_slice %arg6[%dma_wait3A_131, %dma_wait3A_132] : memref<160x128xf32, #tpu.memory_space<vmem>> -> memref<80x128xf32, #tpu.memory_space<vmem>>
      %dma_wait3A_134 = arith.constant 0 : i32
      %dma_wait3A_135 = tpu.memref_slice %arg2[%add3A_125, %dma_wait3A_134] : memref<320000x128xf32, #tpu.memory_space<hbm>> -> memref<80x128xf32, #tpu.memory_space<hbm>>
      tpu.wait_dma2 semaphore(%arg12 : memref<!tpu.dma_semaphore, #tpu.memory_space<semaphore_mem>>) src(%dma_wait3A_135 : memref<80x128xf32, #tpu.memory_space<hbm>>) dst(%dma_wait3A_133 : memref<80x128xf32, #tpu.memory_space<vmem>>)
      %dma_wait3A_136 = tpu.memref_slice %arg3[%add3A_125] : memref<320000xf32, #tpu.memory_space<hbm>> -> memref<80xf32, #tpu.memory_space<hbm>>
      %dma_wait3A_137 = tpu.memref_slice %arg3[%add3A_125] : memref<320000xf32, #tpu.memory_space<hbm>> -> memref<80xf32, #tpu.memory_space<hbm>>
      tpu.wait_dma2 semaphore(%arg12 : memref<!tpu.dma_semaphore, #tpu.memory_space<semaphore_mem>>) src(%dma_wait3A_137 : memref<80xf32, #tpu.memory_space<hbm>>) dst(%arg9 : memref<80xf32, #tpu.memory_space<vmem>>)
      %add3A_138 = arith.constant 1 : i32
      %add3A_139 = arith.addi %add3A_122, %add3A_138 : i32
      %mul3A_140 = arith.constant 80 : i32
      %mul3A_141 = arith.muli %add3A_139, %mul3A_140 : i32
      %add3A_142 = arith.addi %mul3A_2, %mul3A_141 : i32
      %dma_start3A_143 = arith.constant 0 : i32
      %dma_start3A_144 = arith.constant 0 : i32
      %dma_start3A_145 = tpu.memref_slice %arg6[%dma_start3A_143, %dma_start3A_144] : memref<160x128xf32, #tpu.memory_space<vmem>> -> memref<80x128xf32, #tpu.memory_space<vmem>>
      %dma_start3A_146 = arith.constant 0 : i32
      %dma_start3A_147 = tpu.memref_slice %arg2[%add3A_142, %dma_start3A_146] : memref<320000x128xf32, #tpu.memory_space<hbm>> -> memref<80x128xf32, #tpu.memory_space<hbm>>
      %dma_start3A_148 = arith.constant 0 : i32
      %dma_start3A_149 = arith.constant 0 : i32
      %dma_start3A_150 = tpu.memref_slice %arg6[%dma_start3A_148, %dma_start3A_149] : memref<160x128xf32, #tpu.memory_space<vmem>> -> memref<80x128xf32, #tpu.memory_space<vmem>>
      %dma_start3A_151 = arith.constant 0 : i32
      %dma_start3A_152 = tpu.memref_slice %arg2[%add3A_142, %dma_start3A_151] : memref<320000x128xf32, #tpu.memory_space<hbm>> -> memref<80x128xf32, #tpu.memory_space<hbm>>
      tpu.enqueue_dma source(%dma_start3A_152 : memref<80x128xf32, #tpu.memory_space<hbm>>) target(%dma_start3A_150 : memref<80x128xf32, #tpu.memory_space<vmem>>) target_semaphore(%arg11 : memref<!tpu.dma_semaphore, #tpu.memory_space<semaphore_mem>>)
      %dma_start3A_153 = tpu.memref_slice %arg3[%add3A_142] : memref<320000xf32, #tpu.memory_space<hbm>> -> memref<80xf32, #tpu.memory_space<hbm>>
      %dma_start3A_154 = tpu.memref_slice %arg3[%add3A_142] : memref<320000xf32, #tpu.memory_space<hbm>> -> memref<80xf32, #tpu.memory_space<hbm>>
      tpu.enqueue_dma source(%dma_start3A_154 : memref<80xf32, #tpu.memory_space<hbm>>) target(%arg8 : memref<80xf32, #tpu.memory_space<vmem>>) target_semaphore(%arg11 : memref<!tpu.dma_semaphore, #tpu.memory_space<semaphore_mem>>)
      %scan3A_155 = arith.constant 0 : i32
      %scan3A_156 = arith.constant 0 : i32
      %scan3A_157 = arith.constant 80 : i32
      %scan3A_158 = arith.addi %scan3A_156, %scan3A_157 : i32
      %scan3A_159 = arith.constant 1 : i32
      scf.for %scan3A_161 = %scan3A_156 to %scan3A_158 step %scan3A_159  : i32 {
        %broadcast_in_dim3A = vector.broadcast %scan3A_161 : i32 to vector<16xi32>
        %gather3A = tpu.vector_load_idx %arg9[%broadcast_in_dim3A] : memref<80xf32, #tpu.memory_space<vmem>>[vector<16xi32>], vector<16xf32>,
        %add3A_162 = arith.constant 80 : i32
        %add3A_163 = arith.addi %add3A_162, %scan3A_161 : i32
        %get3A = arith.index_cast %add3A_163 : i32 to index
        %get3A_164 = arith.constant 0 : index
        %get3A_165 = tpu.vector_load %arg6[%get3A, %get3A_164] {strides = array<i32>} : memref<160x128xf32, #tpu.memory_space<vmem>>, vector<16xf32>,
        %add3A_166 = arith.addf %get3A_165, %gather3A : vector<16xf32>
        %exp3A = math.exp %add3A_166 : vector<16xf32>
        %swap3A = arith.index_cast %add3A_163 : i32 to index
        %swap3A_167 = arith.constant 0 : index
        %swap3A_168 = tpu.vector_load %arg6[%swap3A, %swap3A_167] {strides = array<i32>} : memref<160x128xf32, #tpu.memory_space<vmem>>, vector<16xf32>,
        tpu.vector_store %arg6[%swap3A, %swap3A_167], %exp3A {strides = array<i32>} : memref<160x128xf32, #tpu.memory_space<vmem>>, vector<16xf32>,
        %get3A_169 = arith.index_cast %add3A_163 : i32 to index
        %get3A_170 = arith.constant 16 : index
        %get3A_171 = tpu.vector_load %arg6[%get3A_169, %get3A_170] {strides = array<i32>} : memref<160x128xf32, #tpu.memory_space<vmem>>, vector<16xf32>,
        %add3A_172 = arith.addf %get3A_171, %gather3A : vector<16xf32>
        %exp3A_173 = math.exp %add3A_172 : vector<16xf32>
        %swap3A_174 = arith.index_cast %add3A_163 : i32 to index
        %swap3A_175 = arith.constant 16 : index
        %swap3A_176 = tpu.vector_load %arg6[%swap3A_174, %swap3A_175] {strides = array<i32>} : memref<160x128xf32, #tpu.memory_space<vmem>>, vector<16xf32>,
        tpu.vector_store %arg6[%swap3A_174, %swap3A_175], %exp3A_173 {strides = array<i32>} : memref<160x128xf32, #tpu.memory_space<vmem>>, vector<16xf32>,
        %get3A_177 = arith.index_cast %add3A_163 : i32 to index
        %get3A_178 = arith.constant 32 : index
        %get3A_179 = tpu.vector_load %arg6[%get3A_177, %get3A_178] {strides = array<i32>} : memref<160x128xf32, #tpu.memory_space<vmem>>, vector<16xf32>,
        %add3A_180 = arith.addf %get3A_179, %gather3A : vector<16xf32>
        %exp3A_181 = math.exp %add3A_180 : vector<16xf32>
        %swap3A_182 = arith.index_cast %add3A_163 : i32 to index
        %swap3A_183 = arith.constant 32 : index
        %swap3A_184 = tpu.vector_load %arg6[%swap3A_182, %swap3A_183] {strides = array<i32>} : memref<160x128xf32, #tpu.memory_space<vmem>>, vector<16xf32>,
        tpu.vector_store %arg6[%swap3A_182, %swap3A_183], %exp3A_181 {strides = array<i32>} : memref<160x128xf32, #tpu.memory_space<vmem>>, vector<16xf32>,
        %get3A_185 = arith.index_cast %add3A_163 : i32 to index
        %get3A_186 = arith.constant 48 : index
        %get3A_187 = tpu.vector_load %arg6[%get3A_185, %get3A_186] {strides = array<i32>} : memref<160x128xf32, #tpu.memory_space<vmem>>, vector<16xf32>,
        %add3A_188 = arith.addf %get3A_187, %gather3A : vector<16xf32>
        %exp3A_189 = math.exp %add3A_188 : vector<16xf32>
        %swap3A_190 = arith.index_cast %add3A_163 : i32 to index
        %swap3A_191 = arith.constant 48 : index
        %swap3A_192 = tpu.vector_load %arg6[%swap3A_190, %swap3A_191] {strides = array<i32>} : memref<160x128xf32, #tpu.memory_space<vmem>>, vector<16xf32>,
        tpu.vector_store %arg6[%swap3A_190, %swap3A_191], %exp3A_189 {strides = array<i32>} : memref<160x128xf32, #tpu.memory_space<vmem>>, vector<16xf32>,
        %get3A_193 = arith.index_cast %add3A_163 : i32 to index
        %get3A_194 = arith.constant 64 : index
        %get3A_195 = tpu.vector_load %arg6[%get3A_193, %get3A_194] {strides = array<i32>} : memref<160x128xf32, #tpu.memory_space<vmem>>, vector<16xf32>,
        %add3A_196 = arith.addf %get3A_195, %gather3A : vector<16xf32>
        %exp3A_197 = math.exp %add3A_196 : vector<16xf32>
        %swap3A_198 = arith.index_cast %add3A_163 : i32 to index
        %swap3A_199 = arith.constant 64 : index
        %swap3A_200 = tpu.vector_load %arg6[%swap3A_198, %swap3A_199] {strides = array<i32>} : memref<160x128xf32, #tpu.memory_space<vmem>>, vector<16xf32>,
        tpu.vector_store %arg6[%swap3A_198, %swap3A_199], %exp3A_197 {strides = array<i32>} : memref<160x128xf32, #tpu.memory_space<vmem>>, vector<16xf32>,
        %get3A_201 = arith.index_cast %add3A_163 : i32 to index
        %get3A_202 = arith.constant 80 : index
        %get3A_203 = tpu.vector_load %arg6[%get3A_201, %get3A_202] {strides = array<i32>} : memref<160x128xf32, #tpu.memory_space<vmem>>, vector<16xf32>,
        %add3A_204 = arith.addf %get3A_203, %gather3A : vector<16xf32>
        %exp3A_205 = math.exp %add3A_204 : vector<16xf32>
        %swap3A_206 = arith.index_cast %add3A_163 : i32 to index
        %swap3A_207 = arith.constant 80 : index
        %swap3A_208 = tpu.vector_load %arg6[%swap3A_206, %swap3A_207] {strides = array<i32>} : memref<160x128xf32, #tpu.memory_space<vmem>>, vector<16xf32>,
        tpu.vector_store %arg6[%swap3A_206, %swap3A_207], %exp3A_205 {strides = array<i32>} : memref<160x128xf32, #tpu.memory_space<vmem>>, vector<16xf32>,
        %get3A_209 = arith.index_cast %add3A_163 : i32 to index
        %get3A_210 = arith.constant 96 : index
        %get3A_211 = tpu.vector_load %arg6[%get3A_209, %get3A_210] {strides = array<i32>} : memref<160x128xf32, #tpu.memory_space<vmem>>, vector<16xf32>,
        %add3A_212 = arith.addf %get3A_211, %gather3A : vector<16xf32>
        %exp3A_213 = math.exp %add3A_212 : vector<16xf32>
        %swap3A_214 = arith.index_cast %add3A_163 : i32 to index
        %swap3A_215 = arith.constant 96 : index
        %swap3A_216 = tpu.vector_load %arg6[%swap3A_214, %swap3A_215] {strides = array<i32>} : memref<160x128xf32, #tpu.memory_space<vmem>>, vector<16xf32>,
        tpu.vector_store %arg6[%swap3A_214, %swap3A_215], %exp3A_213 {strides = array<i32>} : memref<160x128xf32, #tpu.memory_space<vmem>>, vector<16xf32>,
        %get3A_217 = arith.index_cast %add3A_163 : i32 to index
        %get3A_218 = arith.constant 112 : index
        %get3A_219 = tpu.vector_load %arg6[%get3A_217, %get3A_218] {strides = array<i32>} : memref<160x128xf32, #tpu.memory_space<vmem>>, vector<16xf32>,
        %add3A_220 = arith.addf %get3A_219, %gather3A : vector<16xf32>
        %exp3A_221 = math.exp %add3A_220 : vector<16xf32>
        %swap3A_222 = arith.index_cast %add3A_163 : i32 to index
        %swap3A_223 = arith.constant 112 : index
        %swap3A_224 = tpu.vector_load %arg6[%swap3A_222, %swap3A_223] {strides = array<i32>} : memref<160x128xf32, #tpu.memory_space<vmem>>, vector<16xf32>,
        tpu.vector_store %arg6[%swap3A_222, %swap3A_223], %exp3A_221 {strides = array<i32>} : memref<160x128xf32, #tpu.memory_space<vmem>>, vector<16xf32>,
      }
      %scan3A_160 = arith.constant 80 : i32
      "tpu.region"() ({
        %run_scoped3A_161 = tpu.sem_alloc : memref<!tpu.dma_semaphore, #tpu.memory_space<semaphore_mem>>
        %dma_start3A_162 = arith.constant 80 : i32
        %dma_start3A_163 = arith.constant 0 : i32
        %dma_start3A_164 = tpu.memref_slice %arg6[%dma_start3A_162, %dma_start3A_163] : memref<160x128xf32, #tpu.memory_space<vmem>> -> memref<80x128xf32, #tpu.memory_space<vmem>>
        %dma_start3A_165 = arith.constant 0 : i32
        %dma_start3A_166 = tpu.memref_slice %arg7[%add3A_122, %dma_start3A_165] : memref<125x80xi32, #tpu.memory_space<vmem>> -> memref<1x80xi32, #tpu.memory_space<vmem>>
        %dma_start3A_167 = tpu.memref_squeeze %dma_start3A_166 : memref<1x80xi32, #tpu.memory_space<vmem>> -> memref<80xi32, #tpu.memory_space<vmem>>
        %dma_start3A_168 = arith.constant 0 : i32
        %dma_start3A_169 = arith.constant 0 : i32
        %dma_start3A_170 = tpu.memref_slice %arg10[%dma_start3A_168, %dma_start3A_169] : memref<10240x128xf32, #tpu.memory_space<vmem_shared>> -> memref<10240x128xf32, #tpu.memory_space<vmem_shared>>
        tpu.enqueue_indirect_dma source(%dma_start3A_164 : memref<80x128xf32, #tpu.memory_space<vmem>>) target(%dma_start3A_170 : memref<10240x128xf32, #tpu.memory_space<vmem_shared>>) offsets(%dma_start3A_167 : memref<80xi32, #tpu.memory_space<vmem>>) semaphore(%run_scoped3A_161 : memref<!tpu.dma_semaphore, #tpu.memory_space<semaphore_mem>>) {add = true}
        %dma_wait3A_171 = arith.constant 80 : i32
        %dma_wait3A_172 = arith.constant 0 : i32
        %dma_wait3A_173 = tpu.memref_slice %arg6[%dma_wait3A_171, %dma_wait3A_172] : memref<160x128xf32, #tpu.memory_space<vmem>> -> memref<80x128xf32, #tpu.memory_space<vmem>>
        %dma_wait3A_174 = arith.constant 0 : i32
        %dma_wait3A_175 = tpu.memref_slice %arg7[%add3A_122, %dma_wait3A_174] : memref<125x80xi32, #tpu.memory_space<vmem>> -> memref<1x80xi32, #tpu.memory_space<vmem>>
        %dma_wait3A_176 = tpu.memref_squeeze %dma_wait3A_175 : memref<1x80xi32, #tpu.memory_space<vmem>> -> memref<80xi32, #tpu.memory_space<vmem>>
        %dma_wait3A_177 = arith.constant 0 : i32
        %dma_wait3A_178 = arith.constant 0 : i32
        %dma_wait3A_179 = tpu.memref_slice %arg10[%dma_wait3A_177, %dma_wait3A_178] : memref<10240x128xf32, #tpu.memory_space<vmem_shared>> -> memref<10240x128xf32, #tpu.memory_space<vmem_shared>>
        tpu.wait_indirect_dma semaphore(%run_scoped3A_161 : memref<!tpu.dma_semaphore, #tpu.memory_space<semaphore_mem>>) src(%dma_wait3A_173 : memref<80x128xf32, #tpu.memory_space<vmem>>) dst(%dma_wait3A_179 : memref<10240x128xf32, #tpu.memory_space<vmem_shared>>)
        tpu.yield
      }) : () -> ()
    }
    %scan3A_36 = arith.constant 62 : i32
    %add3A_37 = arith.constant 9920 : i32
    %add3A_38 = arith.addi %mul3A_2, %add3A_37 : i32
    %dma_wait3A = arith.constant 0 : i32
    %dma_wait3A_39 = arith.constant 0 : i32
    %dma_wait3A_40 = tpu.memref_slice %arg6[%dma_wait3A, %dma_wait3A_39] : memref<160x128xf32, #tpu.memory_space<vmem>> -> memref<80x128xf32, #tpu.memory_space<vmem>>
    %dma_wait3A_41 = arith.constant 0 : i32
    %dma_wait3A_42 = tpu.memref_slice %arg2[%add3A_38, %dma_wait3A_41] : memref<320000x128xf32, #tpu.memory_space<hbm>> -> memref<80x128xf32, #tpu.memory_space<hbm>>
    %dma_wait3A_43 = arith.constant 0 : i32
    %dma_wait3A_44 = arith.constant 0 : i32
    %dma_wait3A_45 = tpu.memref_slice %arg6[%dma_wait3A_43, %dma_wait3A_44] : memref<160x128xf32, #tpu.memory_space<vmem>> -> memref<80x128xf32, #tpu.memory_space<vmem>>
    %dma_wait3A_46 = arith.constant 0 : i32
    %dma_wait3A_47 = tpu.memref_slice %arg2[%add3A_38, %dma_wait3A_46] : memref<320000x128xf32, #tpu.memory_space<hbm>> -> memref<80x128xf32, #tpu.memory_space<hbm>>
    tpu.wait_dma2 semaphore(%arg11 : memref<!tpu.dma_semaphore, #tpu.memory_space<semaphore_mem>>) src(%dma_wait3A_47 : memref<80x128xf32, #tpu.memory_space<hbm>>) dst(%dma_wait3A_45 : memref<80x128xf32, #tpu.memory_space<vmem>>)
    %dma_wait3A_48 = tpu.memref_slice %arg3[%add3A_38] : memref<320000xf32, #tpu.memory_space<hbm>> -> memref<80xf32, #tpu.memory_space<hbm>>
    %dma_wait3A_49 = tpu.memref_slice %arg3[%add3A_38] : memref<320000xf32, #tpu.memory_space<hbm>> -> memref<80xf32, #tpu.memory_space<hbm>>
    tpu.wait_dma2 semaphore(%arg11 : memref<!tpu.dma_semaphore, #tpu.memory_space<semaphore_mem>>) src(%dma_wait3A_49 : memref<80xf32, #tpu.memory_space<hbm>>) dst(%arg8 : memref<80xf32, #tpu.memory_space<vmem>>)
    %scan3A_50 = arith.constant 0 : i32
    %scan3A_51 = arith.constant 0 : i32
    %scan3A_52 = arith.constant 80 : i32
    %scan3A_53 = arith.addi %scan3A_51, %scan3A_52 : i32
    %scan3A_54 = arith.constant 1 : i32
    scf.for %scan3A_76 = %scan3A_51 to %scan3A_53 step %scan3A_54  : i32 {
      %broadcast_in_dim3A = vector.broadcast %scan3A_76 : i32 to vector<16xi32>
      %gather3A = tpu.vector_load_idx %arg8[%broadcast_in_dim3A] : memref<80xf32, #tpu.memory_space<vmem>>[vector<16xi32>], vector<16xf32>,
      %add3A_77 = arith.constant 0 : i32
      %add3A_78 = arith.addi %add3A_77, %scan3A_76 : i32
      %get3A = arith.index_cast %add3A_78 : i32 to index
      %get3A_79 = arith.constant 0 : index
      %get3A_80 = tpu.vector_load %arg6[%get3A, %get3A_79] {strides = array<i32>} : memref<160x128xf32, #tpu.memory_space<vmem>>, vector<16xf32>,
      %add3A_81 = arith.addf %get3A_80, %gather3A : vector<16xf32>
      %exp3A = math.exp %add3A_81 : vector<16xf32>
      %swap3A = arith.index_cast %add3A_78 : i32 to index
      %swap3A_82 = arith.constant 0 : index
      %swap3A_83 = tpu.vector_load %arg6[%swap3A, %swap3A_82] {strides = array<i32>} : memref<160x128xf32, #tpu.memory_space<vmem>>, vector<16xf32>,
      tpu.vector_store %arg6[%swap3A, %swap3A_82], %exp3A {strides = array<i32>} : memref<160x128xf32, #tpu.memory_space<vmem>>, vector<16xf32>,
      %get3A_84 = arith.index_cast %add3A_78 : i32 to index
      %get3A_85 = arith.constant 16 : index
      %get3A_86 = tpu.vector_load %arg6[%get3A_84, %get3A_85] {strides = array<i32>} : memref<160x128xf32, #tpu.memory_space<vmem>>, vector<16xf32>,
      %add3A_87 = arith.addf %get3A_86, %gather3A : vector<16xf32>
      %exp3A_88 = math.exp %add3A_87 : vector<16xf32>
      %swap3A_89 = arith.index_cast %add3A_78 : i32 to index
      %swap3A_90 = arith.constant 16 : index
      %swap3A_91 = tpu.vector_load %arg6[%swap3A_89, %swap3A_90] {strides = array<i32>} : memref<160x128xf32, #tpu.memory_space<vmem>>, vector<16xf32>,
      tpu.vector_store %arg6[%swap3A_89, %swap3A_90], %exp3A_88 {strides = array<i32>} : memref<160x128xf32, #tpu.memory_space<vmem>>, vector<16xf32>,
      %get3A_92 = arith.index_cast %add3A_78 : i32 to index
      %get3A_93 = arith.constant 32 : index
      %get3A_94 = tpu.vector_load %arg6[%get3A_92, %get3A_93] {strides = array<i32>} : memref<160x128xf32, #tpu.memory_space<vmem>>, vector<16xf32>,
      %add3A_95 = arith.addf %get3A_94, %gather3A : vector<16xf32>
      %exp3A_96 = math.exp %add3A_95 : vector<16xf32>
      %swap3A_97 = arith.index_cast %add3A_78 : i32 to index
      %swap3A_98 = arith.constant 32 : index
      %swap3A_99 = tpu.vector_load %arg6[%swap3A_97, %swap3A_98] {strides = array<i32>} : memref<160x128xf32, #tpu.memory_space<vmem>>, vector<16xf32>,
      tpu.vector_store %arg6[%swap3A_97, %swap3A_98], %exp3A_96 {strides = array<i32>} : memref<160x128xf32, #tpu.memory_space<vmem>>, vector<16xf32>,
      %get3A_100 = arith.index_cast %add3A_78 : i32 to index
      %get3A_101 = arith.constant 48 : index
      %get3A_102 = tpu.vector_load %arg6[%get3A_100, %get3A_101] {strides = array<i32>} : memref<160x128xf32, #tpu.memory_space<vmem>>, vector<16xf32>,
      %add3A_103 = arith.addf %get3A_102, %gather3A : vector<16xf32>
      %exp3A_104 = math.exp %add3A_103 : vector<16xf32>
      %swap3A_105 = arith.index_cast %add3A_78 : i32 to index
      %swap3A_106 = arith.constant 48 : index
      %swap3A_107 = tpu.vector_load %arg6[%swap3A_105, %swap3A_106] {strides = array<i32>} : memref<160x128xf32, #tpu.memory_space<vmem>>, vector<16xf32>,
      tpu.vector_store %arg6[%swap3A_105, %swap3A_106], %exp3A_104 {strides = array<i32>} : memref<160x128xf32, #tpu.memory_space<vmem>>, vector<16xf32>,
      %get3A_108 = arith.index_cast %add3A_78 : i32 to index
      %get3A_109 = arith.constant 64 : index
      %get3A_110 = tpu.vector_load %arg6[%get3A_108, %get3A_109] {strides = array<i32>} : memref<160x128xf32, #tpu.memory_space<vmem>>, vector<16xf32>,
      %add3A_111 = arith.addf %get3A_110, %gather3A : vector<16xf32>
      %exp3A_112 = math.exp %add3A_111 : vector<16xf32>
      %swap3A_113 = arith.index_cast %add3A_78 : i32 to index
      %swap3A_114 = arith.constant 64 : index
      %swap3A_115 = tpu.vector_load %arg6[%swap3A_113, %swap3A_114] {strides = array<i32>} : memref<160x128xf32, #tpu.memory_space<vmem>>, vector<16xf32>,
      tpu.vector_store %arg6[%swap3A_113, %swap3A_114], %exp3A_112 {strides = array<i32>} : memref<160x128xf32, #tpu.memory_space<vmem>>, vector<16xf32>,
      %get3A_116 = arith.index_cast %add3A_78 : i32 to index
      %get3A_117 = arith.constant 80 : index
      %get3A_118 = tpu.vector_load %arg6[%get3A_116, %get3A_117] {strides = array<i32>} : memref<160x128xf32, #tpu.memory_space<vmem>>, vector<16xf32>,
      %add3A_119 = arith.addf %get3A_118, %gather3A : vector<16xf32>
      %exp3A_120 = math.exp %add3A_119 : vector<16xf32>
      %swap3A_121 = arith.index_cast %add3A_78 : i32 to index
      %swap3A_122 = arith.constant 80 : index
      %swap3A_123 = tpu.vector_load %arg6[%swap3A_121, %swap3A_122] {strides = array<i32>} : memref<160x128xf32, #tpu.memory_space<vmem>>, vector<16xf32>,
      tpu.vector_store %arg6[%swap3A_121, %swap3A_122], %exp3A_120 {strides = array<i32>} : memref<160x128xf32, #tpu.memory_space<vmem>>, vector<16xf32>,
      %get3A_124 = arith.index_cast %add3A_78 : i32 to index
      %get3A_125 = arith.constant 96 : index
      %get3A_126 = tpu.vector_load %arg6[%get3A_124, %get3A_125] {strides = array<i32>} : memref<160x128xf32, #tpu.memory_space<vmem>>, vector<16xf32>,
      %add3A_127 = arith.addf %get3A_126, %gather3A : vector<16xf32>
      %exp3A_128 = math.exp %add3A_127 : vector<16xf32>
      %swap3A_129 = arith.index_cast %add3A_78 : i32 to index
      %swap3A_130 = arith.constant 96 : index
      %swap3A_131 = tpu.vector_load %arg6[%swap3A_129, %swap3A_130] {strides = array<i32>} : memref<160x128xf32, #tpu.memory_space<vmem>>, vector<16xf32>,
      tpu.vector_store %arg6[%swap3A_129, %swap3A_130], %exp3A_128 {strides = array<i32>} : memref<160x128xf32, #tpu.memory_space<vmem>>, vector<16xf32>,
      %get3A_132 = arith.index_cast %add3A_78 : i32 to index
      %get3A_133 = arith.constant 112 : index
      %get3A_134 = tpu.vector_load %arg6[%get3A_132, %get3A_133] {strides = array<i32>} : memref<160x128xf32, #tpu.memory_space<vmem>>, vector<16xf32>,
      %add3A_135 = arith.addf %get3A_134, %gather3A : vector<16xf32>
      %exp3A_136 = math.exp %add3A_135 : vector<16xf32>
      %swap3A_137 = arith.index_cast %add3A_78 : i32 to index
      %swap3A_138 = arith.constant 112 : index
      %swap3A_139 = tpu.vector_load %arg6[%swap3A_137, %swap3A_138] {strides = array<i32>} : memref<160x128xf32, #tpu.memory_space<vmem>>, vector<16xf32>,
      tpu.vector_store %arg6[%swap3A_137, %swap3A_138], %exp3A_136 {strides = array<i32>} : memref<160x128xf32, #tpu.memory_space<vmem>>, vector<16xf32>,
    }
    %scan3A_55 = arith.constant 80 : i32
    %run_scoped3A = arith.constant 124 : i32
    "tpu.region"() ({
      %run_scoped3A_76 = tpu.sem_alloc : memref<!tpu.dma_semaphore, #tpu.memory_space<semaphore_mem>>
      %dma_start3A_77 = arith.constant 0 : i32
      %dma_start3A_78 = arith.constant 0 : i32
      %dma_start3A_79 = tpu.memref_slice %arg6[%dma_start3A_77, %dma_start3A_78] : memref<160x128xf32, #tpu.memory_space<vmem>> -> memref<80x128xf32, #tpu.memory_space<vmem>>
      %dma_start3A_80 = arith.constant 0 : i32
      %dma_start3A_81 = tpu.memref_slice %arg7[%run_scoped3A, %dma_start3A_80] : memref<125x80xi32, #tpu.memory_space<vmem>> -> memref<1x80xi32, #tpu.memory_space<vmem>>
      %dma_start3A_82 = tpu.memref_squeeze %dma_start3A_81 : memref<1x80xi32, #tpu.memory_space<vmem>> -> memref<80xi32, #tpu.memory_space<vmem>>
      %dma_start3A_83 = arith.constant 0 : i32
      %dma_start3A_84 = arith.constant 0 : i32
      %dma_start3A_85 = tpu.memref_slice %arg10[%dma_start3A_83, %dma_start3A_84] : memref<10240x128xf32, #tpu.memory_space<vmem_shared>> -> memref<10240x128xf32, #tpu.memory_space<vmem_shared>>
      tpu.enqueue_indirect_dma source(%dma_start3A_79 : memref<80x128xf32, #tpu.memory_space<vmem>>) target(%dma_start3A_85 : memref<10240x128xf32, #tpu.memory_space<vmem_shared>>) offsets(%dma_start3A_82 : memref<80xi32, #tpu.memory_space<vmem>>) semaphore(%run_scoped3A_76 : memref<!tpu.dma_semaphore, #tpu.memory_space<semaphore_mem>>) {add = true}
      %dma_wait3A_86 = arith.constant 0 : i32
      %dma_wait3A_87 = arith.constant 0 : i32
      %dma_wait3A_88 = tpu.memref_slice %arg6[%dma_wait3A_86, %dma_wait3A_87] : memref<160x128xf32, #tpu.memory_space<vmem>> -> memref<80x128xf32, #tpu.memory_space<vmem>>
      %dma_wait3A_89 = arith.constant 0 : i32
      %dma_wait3A_90 = tpu.memref_slice %arg7[%run_scoped3A, %dma_wait3A_89] : memref<125x80xi32, #tpu.memory_space<vmem>> -> memref<1x80xi32, #tpu.memory_space<vmem>>
      %dma_wait3A_91 = tpu.memref_squeeze %dma_wait3A_90 : memref<1x80xi32, #tpu.memory_space<vmem>> -> memref<80xi32, #tpu.memory_space<vmem>>
      %dma_wait3A_92 = arith.constant 0 : i32
      %dma_wait3A_93 = arith.constant 0 : i32
      %dma_wait3A_94 = tpu.memref_slice %arg10[%dma_wait3A_92, %dma_wait3A_93] : memref<10240x128xf32, #tpu.memory_space<vmem_shared>> -> memref<10240x128xf32, #tpu.memory_space<vmem_shared>>
      tpu.wait_indirect_dma semaphore(%run_scoped3A_76 : memref<!tpu.dma_semaphore, #tpu.memory_space<semaphore_mem>>) src(%dma_wait3A_88 : memref<80x128xf32, #tpu.memory_space<vmem>>) dst(%dma_wait3A_94 : memref<10240x128xf32, #tpu.memory_space<vmem_shared>>)
      tpu.yield
    }) : () -> ()
    %barrier3A_56 = arith.constant 0 : index
    tpu.barrier barrier_id(%barrier3A_56)
    %mul3A_57 = arith.constant 10240 : i32
    %mul3A_58 = arith.muli %arg0, %mul3A_57 : i32
    %add3A_59 = arith.addi %mul3A_58, %mul3A_9 : i32
    %add3A_60 = arith.constant 0 : i32
    %add3A_61 = arith.addi %mul3A_9, %add3A_60 : i32
    "tpu.region"() ({
      %run_scoped3A_76 = tpu.sem_alloc : memref<!tpu.dma_semaphore, #tpu.memory_space<semaphore_mem>>
      %dma_start3A_77 = arith.constant 0 : i32
      %dma_start3A_78 = tpu.memref_slice %arg10[%add3A_61, %dma_start3A_77] : memref<10240x128xf32, #tpu.memory_space<vmem_shared>> -> memref<160x128xf32, #tpu.memory_space<vmem_shared>>
      %dma_start3A_79 = arith.constant 0 : i32
      %dma_start3A_80 = tpu.memref_slice %arg10[%add3A_61, %dma_start3A_79] : memref<10240x128xf32, #tpu.memory_space<vmem_shared>> -> memref<160x128xf32, #tpu.memory_space<vmem_shared>>
      tpu.enqueue_dma source(%dma_start3A_80 : memref<160x128xf32, #tpu.memory_space<vmem_shared>>) target(%arg6 : memref<160x128xf32, #tpu.memory_space<vmem>>) target_semaphore(%run_scoped3A_76 : memref<!tpu.dma_semaphore, #tpu.memory_space<semaphore_mem>>)
      %dma_wait3A_81 = arith.constant 0 : i32
      %dma_wait3A_82 = tpu.memref_slice %arg10[%add3A_61, %dma_wait3A_81] : memref<10240x128xf32, #tpu.memory_space<vmem_shared>> -> memref<160x128xf32, #tpu.memory_space<vmem_shared>>
      %dma_wait3A_83 = arith.constant 0 : i32
      %dma_wait3A_84 = tpu.memref_slice %arg10[%add3A_61, %dma_wait3A_83] : memref<10240x128xf32, #tpu.memory_space<vmem_shared>> -> memref<160x128xf32, #tpu.memory_space<vmem_shared>>
      tpu.wait_dma2 semaphore(%run_scoped3A_76 : memref<!tpu.dma_semaphore, #tpu.memory_space<semaphore_mem>>) src(%dma_wait3A_84 : memref<160x128xf32, #tpu.memory_space<vmem_shared>>) dst(%arg6 : memref<160x128xf32, #tpu.memory_space<vmem>>)
      tpu.yield
    }) : () -> ()
    %add3A_62 = arith.constant 0 : i32
    %add3A_63 = arith.addi %add3A_59, %add3A_62 : i32
    "tpu.region"() ({
      %run_scoped3A_76 = tpu.sem_alloc : memref<!tpu.dma_semaphore, #tpu.memory_space<semaphore_mem>>
      %dma_start3A_77 = arith.constant 0 : i32
      %dma_start3A_78 = tpu.memref_slice %arg5[%add3A_63, %dma_start3A_77] : memref<20480x128xf32, #tpu.memory_space<hbm>> -> memref<160x128xf32, #tpu.memory_space<hbm>>
      %dma_start3A_79 = arith.constant 0 : i32
      %dma_start3A_80 = tpu.memref_slice %arg5[%add3A_63, %dma_start3A_79] : memref<20480x128xf32, #tpu.memory_space<hbm>> -> memref<160x128xf32, #tpu.memory_space<hbm>>
      tpu.enqueue_dma source(%arg6 : memref<160x128xf32, #tpu.memory_space<vmem>>) target(%dma_start3A_80 : memref<160x128xf32, #tpu.memory_space<hbm>>) target_semaphore(%run_scoped3A_76 : memref<!tpu.dma_semaphore, #tpu.memory_space<semaphore_mem>>)
      %dma_wait3A_81 = arith.constant 0 : i32
      %dma_wait3A_82 = tpu.memref_slice %arg5[%add3A_63, %dma_wait3A_81] : memref<20480x128xf32, #tpu.memory_space<hbm>> -> memref<160x128xf32, #tpu.memory_space<hbm>>
      %dma_wait3A_83 = arith.constant 0 : i32
      %dma_wait3A_84 = tpu.memref_slice %arg5[%add3A_63, %dma_wait3A_83] : memref<20480x128xf32, #tpu.memory_space<hbm>> -> memref<160x128xf32, #tpu.memory_space<hbm>>
      tpu.wait_dma2 semaphore(%run_scoped3A_76 : memref<!tpu.dma_semaphore, #tpu.memory_space<semaphore_mem>>) src(%arg6 : memref<160x128xf32, #tpu.memory_space<vmem>>) dst(%dma_wait3A_84 : memref<160x128xf32, #tpu.memory_space<hbm>>)
      tpu.yield
    }) : () -> ()
    %add3A_64 = arith.constant 160 : i32
    %add3A_65 = arith.addi %mul3A_9, %add3A_64 : i32
    "tpu.region"() ({
      %run_scoped3A_76 = tpu.sem_alloc : memref<!tpu.dma_semaphore, #tpu.memory_space<semaphore_mem>>
      %dma_start3A_77 = arith.constant 0 : i32
      %dma_start3A_78 = tpu.memref_slice %arg10[%add3A_65, %dma_start3A_77] : memref<10240x128xf32, #tpu.memory_space<vmem_shared>> -> memref<160x128xf32, #tpu.memory_space<vmem_shared>>
      %dma_start3A_79 = arith.constant 0 : i32
      %dma_start3A_80 = tpu.memref_slice %arg10[%add3A_65, %dma_start3A_79] : memref<10240x128xf32, #tpu.memory_space<vmem_shared>> -> memref<160x128xf32, #tpu.memory_space<vmem_shared>>
      tpu.enqueue_dma source(%dma_start3A_80 : memref<160x128xf32, #tpu.memory_space<vmem_shared>>) target(%arg6 : memref<160x128xf32, #tpu.memory_space<vmem>>) target_semaphore(%run_scoped3A_76 : memref<!tpu.dma_semaphore, #tpu.memory_space<semaphore_mem>>)
      %dma_wait3A_81 = arith.constant 0 : i32
      %dma_wait3A_82 = tpu.memref_slice %arg10[%add3A_65, %dma_wait3A_81] : memref<10240x128xf32, #tpu.memory_space<vmem_shared>> -> memref<160x128xf32, #tpu.memory_space<vmem_shared>>
      %dma_wait3A_83 = arith.constant 0 : i32
      %dma_wait3A_84 = tpu.memref_slice %arg10[%add3A_65, %dma_wait3A_83] : memref<10240x128xf32, #tpu.memory_space<vmem_shared>> -> memref<160x128xf32, #tpu.memory_space<vmem_shared>>
      tpu.wait_dma2 semaphore(%run_scoped3A_76 : memref<!tpu.dma_semaphore, #tpu.memory_space<semaphore_mem>>) src(%dma_wait3A_84 : memref<160x128xf32, #tpu.memory_space<vmem_shared>>) dst(%arg6 : memref<160x128xf32, #tpu.memory_space<vmem>>)
      tpu.yield
    }) : () -> ()
    %add3A_66 = arith.constant 160 : i32
    %add3A_67 = arith.addi %add3A_59, %add3A_66 : i32
    "tpu.region"() ({
      %run_scoped3A_76 = tpu.sem_alloc : memref<!tpu.dma_semaphore, #tpu.memory_space<semaphore_mem>>
      %dma_start3A_77 = arith.constant 0 : i32
      %dma_start3A_78 = tpu.memref_slice %arg5[%add3A_67, %dma_start3A_77] : memref<20480x128xf32, #tpu.memory_space<hbm>> -> memref<160x128xf32, #tpu.memory_space<hbm>>
      %dma_start3A_79 = arith.constant 0 : i32
      %dma_start3A_80 = tpu.memref_slice %arg5[%add3A_67, %dma_start3A_79] : memref<20480x128xf32, #tpu.memory_space<hbm>> -> memref<160x128xf32, #tpu.memory_space<hbm>>
      tpu.enqueue_dma source(%arg6 : memref<160x128xf32, #tpu.memory_space<vmem>>) target(%dma_start3A_80 : memref<160x128xf32, #tpu.memory_space<hbm>>) target_semaphore(%run_scoped3A_76 : memref<!tpu.dma_semaphore, #tpu.memory_space<semaphore_mem>>)
      %dma_wait3A_81 = arith.constant 0 : i32
      %dma_wait3A_82 = tpu.memref_slice %arg5[%add3A_67, %dma_wait3A_81] : memref<20480x128xf32, #tpu.memory_space<hbm>> -> memref<160x128xf32, #tpu.memory_space<hbm>>
      %dma_wait3A_83 = arith.constant 0 : i32
      %dma_wait3A_84 = tpu.memref_slice %arg5[%add3A_67, %dma_wait3A_83] : memref<20480x128xf32, #tpu.memory_space<hbm>> -> memref<160x128xf32, #tpu.memory_space<hbm>>
      tpu.wait_dma2 semaphore(%run_scoped3A_76 : memref<!tpu.dma_semaphore, #tpu.memory_space<semaphore_mem>>) src(%arg6 : memref<160x128xf32, #tpu.memory_space<vmem>>) dst(%dma_wait3A_84 : memref<160x128xf32, #tpu.memory_space<hbm>>)
      tpu.yield
    }) : () -> ()
    %add3A_68 = arith.constant 320 : i32
    %add3A_69 = arith.addi %mul3A_9, %add3A_68 : i32
    "tpu.region"() ({
      %run_scoped3A_76 = tpu.sem_alloc : memref<!tpu.dma_semaphore, #tpu.memory_space<semaphore_mem>>
      %dma_start3A_77 = arith.constant 0 : i32
      %dma_start3A_78 = tpu.memref_slice %arg10[%add3A_69, %dma_start3A_77] : memref<10240x128xf32, #tpu.memory_space<vmem_shared>> -> memref<160x128xf32, #tpu.memory_space<vmem_shared>>
      %dma_start3A_79 = arith.constant 0 : i32
      %dma_start3A_80 = tpu.memref_slice %arg10[%add3A_69, %dma_start3A_79] : memref<10240x128xf32, #tpu.memory_space<vmem_shared>> -> memref<160x128xf32, #tpu.memory_space<vmem_shared>>
      tpu.enqueue_dma source(%dma_start3A_80 : memref<160x128xf32, #tpu.memory_space<vmem_shared>>) target(%arg6 : memref<160x128xf32, #tpu.memory_space<vmem>>) target_semaphore(%run_scoped3A_76 : memref<!tpu.dma_semaphore, #tpu.memory_space<semaphore_mem>>)
      %dma_wait3A_81 = arith.constant 0 : i32
      %dma_wait3A_82 = tpu.memref_slice %arg10[%add3A_69, %dma_wait3A_81] : memref<10240x128xf32, #tpu.memory_space<vmem_shared>> -> memref<160x128xf32, #tpu.memory_space<vmem_shared>>
      %dma_wait3A_83 = arith.constant 0 : i32
      %dma_wait3A_84 = tpu.memref_slice %arg10[%add3A_69, %dma_wait3A_83] : memref<10240x128xf32, #tpu.memory_space<vmem_shared>> -> memref<160x128xf32, #tpu.memory_space<vmem_shared>>
      tpu.wait_dma2 semaphore(%run_scoped3A_76 : memref<!tpu.dma_semaphore, #tpu.memory_space<semaphore_mem>>) src(%dma_wait3A_84 : memref<160x128xf32, #tpu.memory_space<vmem_shared>>) dst(%arg6 : memref<160x128xf32, #tpu.memory_space<vmem>>)
      tpu.yield
    }) : () -> ()
    %add3A_70 = arith.constant 320 : i32
    %add3A_71 = arith.addi %add3A_59, %add3A_70 : i32
    "tpu.region"() ({
      %run_scoped3A_76 = tpu.sem_alloc : memref<!tpu.dma_semaphore, #tpu.memory_space<semaphore_mem>>
      %dma_start3A_77 = arith.constant 0 : i32
      %dma_start3A_78 = tpu.memref_slice %arg5[%add3A_71, %dma_start3A_77] : memref<20480x128xf32, #tpu.memory_space<hbm>> -> memref<160x128xf32, #tpu.memory_space<hbm>>
      %dma_start3A_79 = arith.constant 0 : i32
      %dma_start3A_80 = tpu.memref_slice %arg5[%add3A_71, %dma_start3A_79] : memref<20480x128xf32, #tpu.memory_space<hbm>> -> memref<160x128xf32, #tpu.memory_space<hbm>>
      tpu.enqueue_dma source(%arg6 : memref<160x128xf32, #tpu.memory_space<vmem>>) target(%dma_start3A_80 : memref<160x128xf32, #tpu.memory_space<hbm>>) target_semaphore(%run_scoped3A_76 : memref<!tpu.dma_semaphore, #tpu.memory_space<semaphore_mem>>)
      %dma_wait3A_81 = arith.constant 0 : i32
      %dma_wait3A_82 = tpu.memref_slice %arg5[%add3A_71, %dma_wait3A_81] : memref<20480x128xf32, #tpu.memory_space<hbm>> -> memref<160x128xf32, #tpu.memory_space<hbm>>
      %dma_wait3A_83 = arith.constant 0 : i32
      %dma_wait3A_84 = tpu.memref_slice %arg5[%add3A_71, %dma_wait3A_83] : memref<20480x128xf32, #tpu.memory_space<hbm>> -> memref<160x128xf32, #tpu.memory_space<hbm>>
      tpu.wait_dma2 semaphore(%run_scoped3A_76 : memref<!tpu.dma_semaphore, #tpu.memory_space<semaphore_mem>>) src(%arg6 : memref<160x128xf32, #tpu.memory_space<vmem>>) dst(%dma_wait3A_84 : memref<160x128xf32, #tpu.memory_space<hbm>>)
      tpu.yield
    }) : () -> ()
    %add3A_72 = arith.constant 480 : i32
    %add3A_73 = arith.addi %mul3A_9, %add3A_72 : i32
    "tpu.region"() ({
      %run_scoped3A_76 = tpu.sem_alloc : memref<!tpu.dma_semaphore, #tpu.memory_space<semaphore_mem>>
      %dma_start3A_77 = arith.constant 0 : i32
      %dma_start3A_78 = tpu.memref_slice %arg10[%add3A_73, %dma_start3A_77] : memref<10240x128xf32, #tpu.memory_space<vmem_shared>> -> memref<160x128xf32, #tpu.memory_space<vmem_shared>>
      %dma_start3A_79 = arith.constant 0 : i32
      %dma_start3A_80 = tpu.memref_slice %arg10[%add3A_73, %dma_start3A_79] : memref<10240x128xf32, #tpu.memory_space<vmem_shared>> -> memref<160x128xf32, #tpu.memory_space<vmem_shared>>
      tpu.enqueue_dma source(%dma_start3A_80 : memref<160x128xf32, #tpu.memory_space<vmem_shared>>) target(%arg6 : memref<160x128xf32, #tpu.memory_space<vmem>>) target_semaphore(%run_scoped3A_76 : memref<!tpu.dma_semaphore, #tpu.memory_space<semaphore_mem>>)
      %dma_wait3A_81 = arith.constant 0 : i32
      %dma_wait3A_82 = tpu.memref_slice %arg10[%add3A_73, %dma_wait3A_81] : memref<10240x128xf32, #tpu.memory_space<vmem_shared>> -> memref<160x128xf32, #tpu.memory_space<vmem_shared>>
      %dma_wait3A_83 = arith.constant 0 : i32
      %dma_wait3A_84 = tpu.memref_slice %arg10[%add3A_73, %dma_wait3A_83] : memref<10240x128xf32, #tpu.memory_space<vmem_shared>> -> memref<160x128xf32, #tpu.memory_space<vmem_shared>>
      tpu.wait_dma2 semaphore(%run_scoped3A_76 : memref<!tpu.dma_semaphore, #tpu.memory_space<semaphore_mem>>) src(%dma_wait3A_84 : memref<160x128xf32, #tpu.memory_space<vmem_shared>>) dst(%arg6 : memref<160x128xf32, #tpu.memory_space<vmem>>)
      tpu.yield
    }) : () -> ()
    %add3A_74 = arith.constant 480 : i32
    %add3A_75 = arith.addi %add3A_59, %add3A_74 : i32
    "tpu.region"() ({
      %run_scoped3A_76 = tpu.sem_alloc : memref<!tpu.dma_semaphore, #tpu.memory_space<semaphore_mem>>
      %dma_start3A_77 = arith.constant 0 : i32
      %dma_start3A_78 = tpu.memref_slice %arg5[%add3A_75, %dma_start3A_77] : memref<20480x128xf32, #tpu.memory_space<hbm>> -> memref<160x128xf32, #tpu.memory_space<hbm>>
      %dma_start3A_79 = arith.constant 0 : i32
      %dma_start3A_80 = tpu.memref_slice %arg5[%add3A_75, %dma_start3A_79] : memref<20480x128xf32, #tpu.memory_space<hbm>> -> memref<160x128xf32, #tpu.memory_space<hbm>>
      tpu.enqueue_dma source(%arg6 : memref<160x128xf32, #tpu.memory_space<vmem>>) target(%dma_start3A_80 : memref<160x128xf32, #tpu.memory_space<hbm>>) target_semaphore(%run_scoped3A_76 : memref<!tpu.dma_semaphore, #tpu.memory_space<semaphore_mem>>)
      %dma_wait3A_81 = arith.constant 0 : i32
      %dma_wait3A_82 = tpu.memref_slice %arg5[%add3A_75, %dma_wait3A_81] : memref<20480x128xf32, #tpu.memory_space<hbm>> -> memref<160x128xf32, #tpu.memory_space<hbm>>
      %dma_wait3A_83 = arith.constant 0 : i32
      %dma_wait3A_84 = tpu.memref_slice %arg5[%add3A_75, %dma_wait3A_83] : memref<20480x128xf32, #tpu.memory_space<hbm>> -> memref<160x128xf32, #tpu.memory_space<hbm>>
      tpu.wait_dma2 semaphore(%run_scoped3A_76 : memref<!tpu.dma_semaphore, #tpu.memory_space<semaphore_mem>>) src(%arg6 : memref<160x128xf32, #tpu.memory_space<vmem>>) dst(%dma_wait3A_84 : memref<160x128xf32, #tpu.memory_space<hbm>>)
      tpu.yield
    }) : () -> ()
    return
  }
}

module attributes {stable_mosaic.version = 14 : i64} {
  func.func @_finish_body(%arg0: i32, %arg1: memref<2x1024x128xf32, #tpu.memory_space<vmem>>, %arg2: memref<2x1024x128xf32, #tpu.memory_space<vmem>>, %arg3: memref<1024x128xf32, #tpu.memory_space<vmem>>) attributes {dimension_semantics = [#tpu.dimension_semantics<arbitrary>], iteration_bounds = array<i64: 10>, scalar_prefetch = 0 : i64, scratch_operands = 0 : i64, tpu.core_type = #tpu.core_type<tc>, window_params = [{transform_indices = @transform_0, window_bounds = array<i64: 2, 1024, 128>}, {transform_indices = @transform_1, window_bounds = array<i64: 2, 1024, 128>}, {transform_indices = @transform_2, window_bounds = array<i64: 1024, 128>}]} {
    %get3A = arith.constant 0 : index
    %get3A_0 = arith.constant 0 : index
    %get3A_1 = arith.constant 0 : index
    %get3A_2 = vector.load %arg1[%get3A, %get3A_0, %get3A_1] : memref<2x1024x128xf32, #tpu.memory_space<vmem>>, vector<1x1024x128xf32>
    %get3A_3 = vector.shape_cast %get3A_2 : vector<1x1024x128xf32> to vector<1024x128xf32>
    %get3A_4 = arith.constant 1 : index
    %get3A_5 = arith.constant 0 : index
    %get3A_6 = arith.constant 0 : index
    %get3A_7 = vector.load %arg1[%get3A_4, %get3A_5, %get3A_6] : memref<2x1024x128xf32, #tpu.memory_space<vmem>>, vector<1x1024x128xf32>
    %get3A_8 = vector.shape_cast %get3A_7 : vector<1x1024x128xf32> to vector<1024x128xf32>
    %add3A = arith.addf %get3A_3, %get3A_8 : vector<1024x128xf32>
    %get3A_9 = arith.constant 0 : index
    %get3A_10 = arith.constant 0 : index
    %get3A_11 = arith.constant 0 : index
    %get3A_12 = vector.load %arg2[%get3A_9, %get3A_10, %get3A_11] : memref<2x1024x128xf32, #tpu.memory_space<vmem>>, vector<1x1024x128xf32>
    %get3A_13 = vector.shape_cast %get3A_12 : vector<1x1024x128xf32> to vector<1024x128xf32>
    %get3A_14 = arith.constant 1 : index
    %get3A_15 = arith.constant 0 : index
    %get3A_16 = arith.constant 0 : index
    %get3A_17 = vector.load %arg2[%get3A_14, %get3A_15, %get3A_16] : memref<2x1024x128xf32, #tpu.memory_space<vmem>>, vector<1x1024x128xf32>
    %get3A_18 = vector.shape_cast %get3A_17 : vector<1x1024x128xf32> to vector<1024x128xf32>
    %add3A_19 = arith.addf %get3A_13, %get3A_18 : vector<1024x128xf32>
    %div3A = arith.divf %add3A, %add3A_19 : vector<1024x128xf32>
    %log3A = math.log %div3A : vector<1024x128xf32>
    %swap3A = arith.constant 0 : index
    %swap3A_20 = arith.constant 0 : index
    %swap3A_21 = vector.load %arg3[%swap3A, %swap3A_20] : memref<1024x128xf32, #tpu.memory_space<vmem>>, vector<1024x128xf32>
    tpu.vector_store %arg3[%swap3A, %swap3A_20], %log3A {strides = array<i32>} : memref<1024x128xf32, #tpu.memory_space<vmem>>, vector<1024x128xf32>,
    return
  }
  func.func @transform_0(%arg0: i32) -> (i32, i32, i32) {
    %c0_i32 = arith.constant 0 : i32
    %c0_i32_0 = arith.constant 0 : i32
    %c0_i32_1 = arith.constant 0 : i32
    return %c0_i32, %arg0, %c0_i32_0 : i32, i32, i32
  }
  func.func @transform_1(%arg0: i32) -> (i32, i32, i32) {
    %c0_i32 = arith.constant 0 : i32
    %c0_i32_0 = arith.constant 0 : i32
    %c0_i32_1 = arith.constant 0 : i32
    return %c0_i32, %arg0, %c0_i32_0 : i32, i32, i32
  }
  func.func @transform_2(%arg0: i32) -> (i32, i32) {
    %c0_i32 = arith.constant 0 : i32
    %c0_i32_0 = arith.constant 0 : i32
    return %arg0, %c0_i32 : i32, i32
  }
}

</mosaic_0001>

<sc_bundles>
// kernel: kernel.5.cloned.1.call-start
scs
__scs_entry_jumppad:
0x0: {  	(pc) =	sbr.rel $0x88, $3  }
0x1: {  	(tag) =	ssettag $0x0;
	lr =	simm.s32 $0x1  }
0x2: {  	[smem:$0x3F9E] =	sst lr;
	_ =	strace $0xD0000000  }
0x3: {  	_ = 	snop  }
0x4: {  	_ = 	snop  }
0x5: {  	_ = 	snop  }
0x6: {  	_ = 	snop  }
0x7: {  	_ = 	snop  }
__scs_overlays_trampoline_lowered:
0x8: {  	[smem:$0x3FAD] =	sst s0  }
0x9: {  	[smem:$0x3FAE] =	sst s1  }
0xa: {  	[smem:$0x3FAF] =	sst s2  }
0xb: {  	[smem:$0x3FB0] =	sst s3  }
0xc: {  	[smem:$0x3FB1] =	sst s4  }
0xd: {  	[smem:$0x3FB2] =	sst s5  }
0xe: {  	[smem:$0x3FB3] =	sst s6  }
0xf: {  	[smem:$0x3FB4] =	sst s7  }
0x10: {  	[smem:$0x3FB5] =	sst s8  }
0x11: {  	[smem:$0x3FB6] =	sst s9;
	s0 =	simm.s32 @!p0 $0x0  }
0x12: {  	s1 =	sld [smem:$0x3F9C];
	s0 =	simm.s32 @p0 $0x1  }
0x13: {  	[smem:$0x3FB7] =	sst s0;
	s0 =	simm.s32 @!p1 $0x0  }
0x14: {  	s2 =	sld [smem:$0x3F9B];
	s0 =	simm.s32 @p1 $0x1  }
0x15: {  	[smem:$0x3FB8] =	sst s0;
	s0 =	simm.s32 @!p2 $0x0  }
0x16: {  	s3 =	sld [smem:$0x3FDB];
	s0 =	simm.s32 @p2 $0x1  }
0x17: {  	s4 =	simm.s32 $0x1BF5;
	[smem:$0x3FBA] =	sst s0  }
0x18: {  	s0 =	sld [smem:$0x3F9D];
	_ =	swait.ge [sflag:s4], $0x0  }
0x19: {  	s7 =	sld [smem:$0x3F9E]  }
0x1a: {  	s8 =	sadd.s32 $0xFFFFE003, lr  }
0x1b: {  	s9 =	sadd.s32 $0xFFFFFEF7, lr;
	s5 =	simm.s32 $0xFFFFFFFF;
	p2 =	slt.u32 s8, $0xFFFFF086  }
0x1c: {  	p1 =	slt.u32 s9, $0xF7A;
	s5 =	simm.s32 @!p2 $0x0  }
0x1d: {  	s5 =	simm.s32 @p1 $0x1;
	p0 =	seq.s32 s7, s2  }
0x1e: {  	s7 =	smul.u32 @!p0 $0xF7A, s2;
	p2 =	seq.s32 @!p0 s5, $0x0  }
0x1f: {  	s9 =	smul.u32 $0xF7A, s1;
	s8 =	simm.s32 @!p0 $0x1BF5;
	p2 =	por !p2, p0  }
0x20: {  	[sflag:s8] =	ssyncset.s32 @!p0 $0xFFFFF086;
	s6 =	sadd.s32 @!p0 s3, s7;
	s7 =	simm.s32 @!p0 $0x108  }
0x21: {  	s3 =	sadd.s32 s3, s9;
	s6 =	sadd.s32 @!p0 $0x88, s6;
	s7 =	simm.s32 @p2 $0x1082  }
0x22: {  	[simem:s7], [sflag:s8] =	dma.local @!p0 [hbm:s6], $0xF7A  }
0x23: {  	s9 =	sor.u32 $0xD0000000, s2;
	s6 =	simm.s32 $0x108;
	_ =	swait.ge @!p0 [sflag:s8], $0x0  }
0x24: {  	s3 =	sadd.s32 $0x88, s3;
	s6 =	simm.s32 @!p1 $0x1082;
	[sflag:s4] =	ssyncset.s32 $0xFFFFF086  }
0x25: {  	[simem:s6], [sflag:s4] =	dma.local [hbm:s3], $0xF7A  }
0x26: {  	[smem:$0x3F9E] =	sst s1;
	(tag) =	ssettag s2;
	_ =	strace s9  }
0x27: {  	s1 =	sld [smem:$0x3FAE]  }
0x28: {  	s2 =	sld [smem:$0x3FAF]  }
0x29: {  	s4 =	sld [smem:$0x3FB1]  }
0x2a: {  	p0 =	seq.s32 s5, $0x0;
	s5 =	sld [smem:$0x3FB2]  }
0x2b: {  	s6 =	sld [smem:$0x3FB3]  }
0x2c: {  	s7 =	sld [smem:$0x3FB4]  }
0x2d: {  	s3 =	simm.s32 $0x108;
	s8 =	sld [smem:$0x3FB5]  }
0x2e: {  	s3 =	simm.s32 @!p0 $0x1082;
	s9 =	sld [smem:$0x3FB6]  }
0x2f: {  	lr =	sadd.s32 s0, s3;
	s0 =	sld [smem:$0x3FAD]  }
0x30: {  	s3 =	sld [smem:$0x3FB0]  }
0x31: {  	[smem:$0x3FB9] =	sst s10  }
0x32: {  	s10 =	sld [smem:$0x3FB7];
	_ =	sdelay $0x3  }
0x33: {  	p0 =	seq.s32 s10, $0x1;
	s10 =	sld [smem:$0x3FB9];
	_ =	sdelay $0x3  }
0x34: {  	[smem:$0x3FB9] =	sst s10  }
0x35: {  	s10 =	sld [smem:$0x3FB8];
	_ =	sdelay $0x3  }
0x36: {  	p1 =	seq.s32 s10, $0x1;
	s10 =	sld [smem:$0x3FB9];
	_ =	sdelay $0x3  }
0x37: {  	[smem:$0x3FB9] =	sst s10  }
0x38: {  	s10 =	sld [smem:$0x3FBA]  }
0x39: {  	_ = 	snop;
	(pc) =	sbr.ind lr, $3  }
0x3a: {  	_ = 	snop  }
0x3b: {  	_ = 	snop  }
0x3c: {  	p2 =	seq.s32 s10, $0x1;
	s10 =	sld [smem:$0x3FB9]  }
0x3d: {  	_ =	shalt  }
0x3e: {  	_ =	shalt  }
0x3f: {  	_ =	shalt  }
0x40: {  	_ =	shalt  }
0x41: {  	_ =	shalt  }
0x42: {  	_ =	shalt  }
0x43: {  	_ =	shalt  }
0x44: {  	_ =	shalt  }
0x45: {  	_ =	shalt  }
0x46: {  	_ =	shalt  }
0x47: {  	_ =	shalt  }
0x48: {  	_ =	shalt  }
0x49: {  	_ =	shalt  }
0x4a: {  	_ =	shalt  }
0x4b: {  	_ =	shalt  }
0x4c: {  	_ =	shalt  }
0x4d: {  	_ =	shalt  }
0x4e: {  	_ =	shalt  }
0x4f: {  	_ =	shalt  }
0x50: {  	_ =	shalt  }
0x51: {  	_ =	shalt  }
0x52: {  	_ =	shalt  }
0x53: {  	_ =	shalt  }
0x54: {  	_ =	shalt  }
0x55: {  	_ =	shalt  }
0x56: {  	_ =	shalt  }
0x57: {  	_ =	shalt  }
0x58: {  	_ =	shalt  }
0x59: {  	_ =	shalt  }
0x5a: {  	_ =	shalt  }
0x5b: {  	_ =	shalt  }
0x5c: {  	_ =	shalt  }
0x5d: {  	_ =	shalt  }
0x5e: {  	_ =	shalt  }
0x5f: {  	_ =	shalt  }
0x60: {  	_ =	shalt  }
0x61: {  	_ =	shalt  }
0x62: {  	_ =	shalt  }
0x63: {  	_ =	shalt  }
0x64: {  	_ =	shalt  }
0x65: {  	_ =	shalt  }
0x66: {  	_ =	shalt  }
0x67: {  	_ =	shalt  }
0x68: {  	_ =	shalt  }
0x69: {  	_ =	shalt  }
0x6a: {  	_ =	shalt  }
0x6b: {  	_ =	shalt  }
0x6c: {  	_ =	shalt  }
0x6d: {  	_ =	shalt  }
0x6e: {  	_ =	shalt  }
0x6f: {  	_ =	shalt  }
0x70: {  	_ =	shalt  }
0x71: {  	_ =	shalt  }
0x72: {  	_ =	shalt  }
0x73: {  	_ =	shalt  }
0x74: {  	_ =	shalt  }
0x75: {  	_ =	shalt  }
0x76: {  	_ =	shalt  }
0x77: {  	_ =	shalt  }
0x78: {  	_ =	shalt  }
0x79: {  	_ =	shalt  }
0x7a: {  	_ =	shalt  }
0x7b: {  	_ =	shalt  }
0x7c: {  	_ =	shalt  }
0x7d: {  	_ =	shalt  }
0x7e: {  	_ =	shalt  }
0x7f: {  	_ =	shalt  }
0x80: {  	_ =	shalt  }
0x81: {  	_ =	shalt  }
0x82: {  	_ =	shalt  }
0x83: {  	_ =	shalt  }
0x84: {  	_ =	shalt  }
0x85: {  	_ =	shalt  }
0x86: {  	_ =	shalt  }
0x87: {  	_ =	shalt  }
.Lfunc_end0:
.L_simem_size_0:
called_computation_lowered:
.L_overlay_start_0:
0x88: {  	s2 =	sld [smem:$0x3FD9]  }
0x89: {  	s3 =	sld [smem:$0x3FFE];
	_ =	sdelay $0x1  }
0x8a: {  	s1 =	srdreg.scid  }
0x8b: {  	s0 =	sand.u32 $0x1, s1  }
0x8c: {  	s17 =	sshll.u32 s0, $0xA;
	s2 =	sadd.s32 s3, s2  }
0x8d: {  	s2 =	sadd.s32 s2, s17  }
0x8e: {  	[smem:$0x3FC5] =	sst s2  }
0x8f: {  	_ = 	snop  }
0x90: {  	s18 =	sld [smem:$0x3FC9]  }
0x91: {  	s4 =	sld [smem:$0x3FC8]  }
0x92: {  	s5 =	sld [smem:$0x3FD0];
	(tm) =	ssettm $0x1  }
0x93: {  	s19 =	sld [smem:$0x3FFB];
	_ =	sdelay $0x3  }
0x94: {  	_ =	strace s19  }
0x95: {  	s2 =	sld [smem:$0x3FFC];
	_ =	sdelay $0x3  }
0x96: {  	_ =	strace s2  }
0x97: {  	s2 =	sld [smem:$0x3FFD];
	_ =	sdelay $0x3  }
0x98: {  	_ =	strace s2  }
0x99: {  	_ =	strace $0x8FFFFFFF  }
0x9a: {  	s20 =	sld [smem:$0x3FDB];
	_ =	sdelay $0x1  }
0x9b: {  	s6 =	simm.s32 $_scs_section_size  }
0x9c: {  	s7 =	simm.s32 $_size__tile_overlayer_lowered;
	s8 =	simm.s32 $_tile_overlayer_lowered  }
0x9d: {  	s9 =	simm.s32 $0x1BFF;
	s21 =	sshll.u32 s8, $0x1;
	s6 =	sadd.s32 s6, s20  }
0x9e: {  	s22 =	simm.s32 $0x0;
	s7 =	sshll.u32 s7, $0x1;
	s8 =	sadd.s32 s21, s6  }
0x9f: {  	[timem:s22], [sflag:s9] =	dma.local [hbm:s8], s7  }
0xa0: {  	_ =	swait.ge [sflag:s9], s7  }
0xa1: {  	s7 =	ssub.s32 $0x0, s7;
	[sflag:s9] =	ssyncset.done $0x0  }
0xa2: {  	[sflag:s9] =	ssyncadd.s32 s7;
	_ =	sdelay $0x1  }
0xa3: {  	s23 =	simm.s32 $0x1B8B  }
0xa4: {  	_ =	swait.ge [sflag:s23], $0x1  }
0xa5: {  	[sflag:s23] =	ssyncset.done $0x0  }
0xa6: {  	[sflag:s23] =	ssyncadd.s32 $0xFFFFFFFF  }
0xa7: {  	s7 =	sld [smem:$0x0]  }
0xa8: {  	s8 =	sand.u32 $0xFFFFFFFE, s1  }
0xa9: {  	p0 =	sne.s32 s1, s8  }
0xaa: {  	s8 =	sshll.u32 @p0 s8, $0xE  }
0xab: {  	s8 =	sadd.s32 @p0 $0x11B8D, s8;
	s9 =	sshll.u32 @p0 s7, $0x11  }
0xac: {  	s8 =	sor.u32 @p0 s9, s8  }
0xad: {  	[sflag:s8] =	ssyncadd.remote.s32 @p0 $0x1;
	_ =	sdelay $0x1  }
0xae: {  	s8 =	simm.s32 @p0 $0x1B8D  }
0xaf: {  	_ =	swait.eq @p0 [sflag:s8], $0x1  }
0xb0: {  	[sflag:s8] =	ssyncadd.s32 @p0 $0xFFFFFFFF  }
0xb1: {  	s9 =	sshll.u32 @!p0 s1, $0xE  }
0xb2: {  	s9 =	sor.u32 @!p0 $0x4000, s9;
	s8 =	simm.s32 @!p0 $0x1B8D  }
0xb3: {  	s7 =	sshll.u32 @!p0 s7, $0x11;
	s9 =	sadd.s32 @!p0 $0x11B8D, s9;
	_ =	swait.eq @!p0 [sflag:s8], $0x1  }
0xb4: {  	s7 =	sor.u32 @!p0 s7, s9;
	[sflag:s8] =	ssyncadd.s32 @!p0 $0xFFFFFFFF  }
0xb5: {  	s25 =	simm.s32 $0x1B8E;
	s24 =	sld [smem:$0x3FFE];
	[sflag:s7] =	ssyncadd.remote.s32 @!p0 $0x1  }
0xb6: {  	s26 =	simm.s32 $execute0_lowered;
	[smem:$0x3FD2] =	sst s25  }
0xb7: {  	s8 =	sshll.u32 s26, $0x1;
	_ =	strace $0x80000049;
	[dreg:$0x1] =	wrdreg $0xFFFFFFFF  }
0xb8: {  	s28 =	simm.s32 $_size_execute0_lowered;
	s6 =	sadd.s32 s6, s8;
	[dreg:$0x0] =	wrdreg $0x0  }
0xb9: {  	s8 =	sshll.u32 s28, $0x1;
	[dreg:$0x2] =	wrdreg s6  }
0xba: {  	[dreg:$0x3] =	wrdreg s8  }
0xbb: {  	[dreg:$0x4] =	wrdreg $0xC0  }
0xbc: {  	_ =	task [dreg:s22], $0x5FFFF  }
0xbd: {  	[dreg:$0x1] =	wrdreg $0xFFFFFFFF  }
0xbe: {  	[dreg:$0x0] =	wrdreg $0x60  }
0xbf: {  	[dreg:$0x2] =	wrdreg s18  }
0xc0: {  	[dreg:$0x3] =	wrdreg s4  }
0xc1: {  	[dreg:$0x4] =	wrdreg s5  }
0xc2: {  	[dreg:$0x5] =	wrdreg s24  }
0xc3: {  	[dreg:$0x6] =	wrdreg $0x91000  }
0xc4: {  	[dreg:$0x7] =	wrdreg $0x9  }
0xc5: {  	_ =	task.clear_ibuf [dreg:s22], $0x8FFFF;
	_ =	strace $0x90000049  }
0xc6: {  	s29 =	simm.s32 $0x9;
	_ =	strace $0x8000004B  }
0xc7: {  	_ =	swait.ge [sflag:s29], $0x1  }
0xc8: {  	[sflag:s29] =	ssyncadd.s32 $0xFFFFFFFF  }
0xc9: {  	_ =	strace $0x9000004B  }
0xca: {  	_ =	sfence  }
0xcb: {  	s30 =	sld [smem:$0x0];
	_ =	sdelay $0x2  }
0xcc: {  	s31 =	sshll.u32 s1, $0xD;
	s1 =	sshrl.u32 s1, $0x2  }
0xcd: {  	s4 =	sand.u32 $0x4000, s31;
	s1 =	sadd.s32 s1, s30  }
0xce: {  	s0 =	sor.u32 s4, s0;
	s1 =	sshll.u32 s1, $0x11  }
0xcf: {  	s0 =	sor.u32 s1, s0  }
0xd0: {  	s0 =	sadd.s32 $0x8F2B, s0  }
0xd1: {  	[sflag:s0] =	ssyncadd.remote.s32 $0x1  }
0xd2: {  	_ =	sfence.sel $0xFFFF  }
0xd3: {  	[dreg:$0x0] =	wrdreg $0xFFFFFFFF;
	(pc) =	sbr.abs _section_cstart, $3  }
0xd4: {  	[dreg:$0x1] =	wrdreg $0xFFFFFFFF  }
0xd5: {  	_ =	task.clear_ibuf [dreg:s22], $0x2FFFF;
	_ =	strace $0x9FFFFFFF  }
0xd6: {  	(tm) =	ssettm $0x7FFFFFFF  }
0xd7: {  	_ =	shalt  }
tec
execute0_lowered:
.L_overlay_start_1:
0x0: {  	(tag) =	ssettag $0x1  }
0x1: {  	s1 =	rddreg [dreg:$0x0]  }
0x2: {  	s2 =	rddreg [dreg:$0x1]  }
0x3: {  	s3 =	rddreg [dreg:$0x2]  }
0x4: {  	s0 =	srdreg.scid;
	s7 =	rddreg [dreg:$0x3]  }
0x5: {  	s9 =	stileid.u32;
	s4 =	rddreg [dreg:$0x4];
	s5 =	simm.s32 $0x0  }
0x6: {  	s20 =	simm.s32 $0x3;
	s22 =	simm.s32 $0x9000;
	s28 =	simm.s32 $0x2  }
0x7: {  	s30 =	simm.s32 $0x0;
	s31 =	simm.s32 $0x0;
	s6 =	smul.u32 $0x280, s9  }
0x8: {  	s0 =	sand.u32 $0x1, s0;
	[smem:$0x7FF] =	sst s5;
	s23 =	smul.u32 $0x50000, s9  }
0x9: {  	s8 =	smul.u32 $0x2800, s0;
	_ =	strace $0x8000004A;
	s24 =	ssub.s32 $0x2, s0  }
0xa: {  	s0 =	sshll.u32 s0, $0x4;
	s25 =	sshrl.u32 s23, $0x2;
	s26 =	sshrl.u32 s24, $0x1  }
0xb: {  	s0 =	sor.u32 s9, s0;
	s23 =	simm.s32 $0x1;
	s6 =	sadd.s32 s6, s8  }
0xc: {  	s19 =	ssub.s32 s24, s26;
	s12 =	sshll.u32 s0, $0xB;
	s24 =	simm.s32 $0x2800  }
0xd: {  	s26 =	simm.s32 $0x50;
	s6 =	sshll.u32 s6, $0x4;
	s3 =	sadd.s32 s3, s12  }
0xe: {  	s19 =	smax.u32 s19, $0x1;
	s11 =	sadd.s32 s6, s7;
	s7 =	smul.u32 $0x2710, s0  }
0xf: {  	s6 =	sadd.s32 s25, s4;
	s0 =	smul.u32 $0x27100, s0;
	[dreg:$0x6] =	wrdreg s3  }
0x10: {  	s25 =	simm.s32 $0x9080;
	s8 =	sadd.s32 $0x5000, s6;
	s9 =	sadd.s32 $0xA000, s6  }
0x11: {  	s10 =	sadd.s32 $0xF000, s6;
	s15 =	sadd.s32 $0x1600, s11;
	s16 =	sadd.s32 $0x2000, s11  }
0x12: {  	s17 =	sadd.s32 $0x2A00, s11;
	s18 =	sadd.s32 $0x3400, s11;
	s29 =	sshrl.u32 s7, $0x3  }
0x13: {  	v0 =	vimm.f32 $0.0e+00;
	s12 =	sadd.s32 s1, s0;
	s14 =	sadd.s32 $0xA0, s7;
	s13 =	sadd.s32 s2, s29  }
.LBB2_1:
0x14: {  	s0 =	simm.s32 $0x0;
	s3 =	simm.s32 $0x200  }
.LBB2_2:
0x15: {  	p0 =	sne.s32 s3, $0x13E00;
	[tilespmem:s0+$0x70] =	vst v0  }
0x16: {  	[tilespmem:s0+$0x0] =	vst v0  }
0x17: {  	[tilespmem:s0+$0x10] =	vst v0  }
.Ltmp0:
0x18: {  	[tilespmem:s0+$0x20] =	vst v0;
	(pc) =	sbr.rel @p0 .LBB2_2-.Ltmp0, $4  }
0x19: {  	[tilespmem:s0+$0x30] =	vst v0  }
0x1a: {  	[tilespmem:s0+$0x40] =	vst v0  }
0x1b: {  	[tilespmem:s0+$0x50] =	vst v0  }
0x1c: {  	[tilespmem:s0+$0x60] =	vst v0;
	s0 =	sshra.s32 s3, $0x2;
	s3 =	sadd.s32 $0x200, s3  }
0x1d: {  	[tilespmem:s0+$0x70] =	vst v0  }
0x1e: {  	[tilespmem:s0+$0x0] =	vst v0  }
0x1f: {  	[tilespmem:s0+$0x10] =	vst v0  }
0x20: {  	[tilespmem:s0+$0x20] =	vst v0  }
0x21: {  	[tilespmem:s0+$0x30] =	vst v0  }
0x22: {  	[tilespmem:s0+$0x40] =	vst v0  }
0x23: {  	[tilespmem:s0+$0x50] =	vst v0  }
0x24: {  	[tilespmem:s0+$0x60] =	vst v0  }
0x25: {  	[spmem:s6] =	stream.linear.scatter [tilespmem:s31], [sflag:$0x3], $0x5000, $0x38;
	[tilespmem:$0x1D100] =	vst v63  }
0x26: {  	_ =	swait.ge [sflag:s20], $0x5000  }
0x27: {  	[sflag:s20] =	ssyncset.done $0x0  }
0x28: {  	[sflag:s20] =	ssyncadd.s32 $0xFFFFB000  }
0x29: {  	[spmem:s8] =	stream.linear.scatter [tilespmem:s31], [sflag:$0x3], $0x5000, $0x38;
	[tilespmem:$0x1D100] =	vst v63  }
0x2a: {  	_ =	swait.ge [sflag:s20], $0x5000  }
0x2b: {  	[sflag:s20] =	ssyncset.done $0x0  }
0x2c: {  	[sflag:s20] =	ssyncadd.s32 $0xFFFFB000  }
0x2d: {  	[spmem:s9] =	stream.linear.scatter [tilespmem:s31], [sflag:$0x3], $0x5000, $0x38;
	[tilespmem:$0x1D100] =	vst v63  }
0x2e: {  	_ =	swait.ge [sflag:s20], $0x5000  }
0x2f: {  	[sflag:s20] =	ssyncset.done $0x0  }
0x30: {  	[sflag:s20] =	ssyncadd.s32 $0xFFFFB000  }
0x31: {  	[spmem:s10] =	stream.linear.scatter [tilespmem:s31], [sflag:$0x3], $0x5000, $0x38;
	[tilespmem:$0x1D100] =	vst v63  }
0x32: {  	_ =	swait.ge [sflag:s20], $0x5000  }
0x33: {  	[sflag:s20] =	ssyncset.done $0x0  }
0x34: {  	[sflag:s20] =	ssyncadd.s32 $0xFFFFB000  }
0x35: {  	[bflag:$0x0] =	sbarrier.arrive $0xFFFF  }
0x36: {  	s3 =	simm.s32 $0x5000;
	s29 =	rddreg [dreg:$0x6]  }
0x37: {  	[tilespmem:s3], [sflag:$0x3] =	stream.linear.gather [hbm4b:s29+s31], $0x3E80, $0x38;
	[tilespmem:$0x1D100] =	vst v63  }
0x38: {  	_ =	swait.ge [sflag:s20], $0x3E80  }
0x39: {  	[sflag:s20] =	ssyncset.done $0x0  }
0x3a: {  	[sflag:s20] =	ssyncadd.s32 $0xFFFFC180  }
0x3b: {  	[tilespmem:s31], [sflag:$0x1] =	stream.linear.gather [hbm4b:s12+s31], $0x2800, $0x38;
	[tilespmem:$0x1D100] =	vst v63  }
0x3c: {  	s3 =	simm.s32 $0x0  }
0x3d: {  	[tilespmem:s22], [sflag:$0x1] =	stream.linear.gather [hbm4b:s13+s31], $0x50, $0x38;
	[tilespmem:$0x1D100] =	vst v63  }
.LBB2_4:
0x3e: {  	_ =	swait.ge [sflag:s23], $0x2800;
	s0 =	sshllo.u32 s3, $0x1  }
0x3f: {  	[sflag:s23] =	ssyncset.done $0x0;
	s11 =	smul.u32 $0x50, s0  }
0x40: {  	[sflag:s23] =	ssyncadd.s32 $0xFFFFD800  }
0x41: {  	_ =	swait.ge [sflag:s23], $0x50;
	s11 =	sadd.s32 s7, s11  }
0x42: {  	v1 =	vmov s31;
	[sflag:s23] =	ssyncset.done $0x0;
	s21 =	sshll.u32 s11, $0x4  }
0x43: {  	s11 =	sshrl.u32 s11, $0x3;
	[sflag:s23] =	ssyncadd.s32 $0xFFFFFFB0;
	s21 =	sadd.s32 s1, s21  }
0x44: {  	[tilespmem:s24], [sflag:$0x2] =	stream.linear.gather [hbm4b:s21+s31], $0x2800, $0x38;
	[tilespmem:$0x1D100] =	vst v63  }
0x45: {  	s11 =	sadd.s32 s2, s11  }
0x46: {  	[tilespmem:s25], [sflag:$0x2] =	stream.linear.gather [hbm4b:s11+s31], $0x50, $0x38;
	[tilespmem:$0x1D100] =	vst v63  }
0x47: {  	s21 =	simm.s32 $0x40;
	v1 =	vld.idx.msk [tilespmem:v1+s22+$0x0], $0xffff  }
0x48: {  	v2 =	vld [tilespmem:s21+$0xFFFFFFC0]  }
0x49: {  	v3 =	vld [tilespmem:s21+$0xFFFFFFD0]  }
0x4a: {  	v4 =	vld [tilespmem:s21+$0xFFFFFFE0]  }
0x4b: {  	v5 =	vld [tilespmem:s21+$0xFFFFFFF0];
	_ =	sdelay $0x1  }
0x4c: {  	v2 =	vadd.f32 v2, v1  }
0x4d: {  	v3 =	vadd.f32 v3, v1  }
0x4e: {  	v4 =	vadd.f32 v4, v1;
	v2 =	vmul.f32 $1.442695020e+00, v2  }
0x4f: {  	v5 =	vadd.f32 v5, v1;
	v3 =	vmul.f32 $1.442695020e+00, v3  }
0x50: {  	v6 =	vld [tilespmem:s21+$0x0];
	v4 =	vmul.f32 $1.442695020e+00, v4;
	(erf) = vpow2.f32 v2  }
0x51: {  	v2 =	vmul.f32 $1.442695020e+00, v5;
	(erf) = vpow2.f32 v3;
	v3 =	vld [tilespmem:s21+$0x10]  }
0x52: {  	v63 =	vld [tilespmem:s21+$0x20];
	(erf) = vpow2.f32 v4  }
0x53: {  	(erf) = vpow2.f32 v2;
	v2 =	vld [tilespmem:s21+$0x30];
	_ =	sdelay $0x1  }
0x54: {  	v6 =	vadd.f32 v6, v1  }
0x55: {  	v3 =	vadd.f32 v3, v1  }
0x56: {  	v62 =	vmul.f32 $1.442695020e+00, v6;
	v4 =	vadd.f32 v63, v1  }
0x57: {  	v3 =	vmul.f32 $1.442695020e+00, v3;
	v1 =	vadd.f32 v2, v1  }
0x58: {  	(erf) = vpow2.f32 v62;
	v4 =	vmul.f32 $1.442695020e+00, v4  }
0x59: {  	v2 =	vpop (erf);
	v1 =	vmul.f32 $1.442695020e+00, v1;
	(erf) = vpow2.f32 v3  }
0x5a: {  	[tilespmem:s21+$0xFFFFFFC0] =	vst v2;
	v2 =	vpop (erf);
	(erf) = vpow2.f32 v4  }
0x5b: {  	(erf) = vpow2.f32 v1;
	_ =	sdelay $0x3  }
0x5c: {  	[tilespmem:s21+$0xFFFFFFD0] =	vst v2;
	v2 =	vpop (erf)  }
0x5d: {  	s11 =	simm.s32 $0x1;
	[tilespmem:s21+$0xFFFFFFE0] =	vst v2;
	v2 =	vpop (erf)  }
0x5e: {  	s29 =	simm.s32 $0x40;
	v1 =	vmov s11;
	s11 =	simm.s32 $0x2;
	[tilespmem:s21+$0xFFFFFFF0] =	vst v2;
	v2 =	vpop (erf)  }
.LBB2_5:
0x5f: {  	p0 =	sne.s32 s11, $0x4F;
	[tilespmem:s21+$0x0] =	vst v2;
	v2 =	vpop (erf)  }
0x60: {  	s21 =	sadd.s32 $0x80, s21;
	[tilespmem:s29+$0x10] =	vst v2;
	v2 =	vpop (erf)  }
0x61: {  	v3 =	vld [tilespmem:s21+$0xFFFFFFF0];
	[tilespmem:s29+$0x20] =	vst v2;
	v2 =	vpop (erf)  }
0x62: {  	v4 =	vld [tilespmem:s21+$0xFFFFFFD0];
	[tilespmem:s29+$0x30] =	vst v2;
	s29 =	smov.u32 s21  }
0x63: {  	v1 =	vld.idx.msk [tilespmem:v1+s22+$0x0], $0xffff  }
0x64: {  	v2 =	vld [tilespmem:s21+$0xFFFFFFC0]  }
0x65: {  	v5 =	vld [tilespmem:s21+$0xFFFFFFE0]  }
0x66: {  	v6 =	vld [tilespmem:s21+$0x0]  }
0x67: {  	v7 =	vld [tilespmem:s21+$0x10]  }
0x68: {  	v8 =	vld [tilespmem:s21+$0x20]  }
0x69: {  	v4 =	vadd.f32 v4, v1;
	v2 =	vadd.f32 v2, v1;
	v9 =	vld [tilespmem:s21+$0x30]  }
0x6a: {  	v3 =	vadd.f32 v3, v1;
	v5 =	vadd.f32 v5, v1  }
0x6b: {  	v4 =	vmul.f32 $1.442695020e+00, v4;
	v2 =	vmul.f32 $1.442695020e+00, v2;
	v6 =	vadd.f32 v6, v1  }
0x6c: {  	v3 =	vmul.f32 $1.442695020e+00, v3;
	v5 =	vmul.f32 $1.442695020e+00, v5;
	v7 =	vadd.f32 v7, v1  }
0x6d: {  	v6 =	vmul.f32 $1.442695020e+00, v6;
	v8 =	vadd.f32 v8, v1;
	(erf) = vpow2.f32 v2  }
0x6e: {  	v2 =	vmul.f32 $1.442695020e+00, v7;
	v1 =	vadd.f32 v9, v1;
	(erf) = vpow2.f32 v4  }
0x6f: {  	v4 =	vmul.f32 $1.442695020e+00, v8;
	(erf) = vpow2.f32 v5  }
0x70: {  	v1 =	vmul.f32 $1.442695020e+00, v1;
	(erf) = vpow2.f32 v3  }
0x71: {  	(erf) = vpow2.f32 v6  }
0x72: {  	(erf) = vpow2.f32 v2  }
0x73: {  	(erf) = vpow2.f32 v4  }
0x74: {  	(erf) = vpow2.f32 v1;
	_ =	sdelay $0x1  }
.Ltmp1:
0x75: {  	v1 =	vpop (erf);
	(pc) =	sbr.rel @p0 .LBB2_5-.Ltmp1, $4  }
0x76: {  	[tilespmem:s21+$0xFFFFFFC0] =	vst v1;
	v1 =	vpop (erf)  }
0x77: {  	[tilespmem:s21+$0xFFFFFFD0] =	vst v1;
	v1 =	vpop (erf)  }
0x78: {  	[tilespmem:s21+$0xFFFFFFE0] =	vst v1;
	v2 =	vpop (erf)  }
0x79: {  	v1 =	vmov s11;
	s11 =	sadd.s32 $0x1, s11;
	[tilespmem:s21+$0xFFFFFFF0] =	vst v2;
	v2 =	vpop (erf)  }
0x7a: {  	[tilespmem:s21+$0x0] =	vst v2;
	v2 =	vpop (erf)  }
0x7b: {  	s11 =	sadd.s32 $0x80, s21;
	[tilespmem:s29+$0x10] =	vst v2;
	v2 =	vpop (erf)  }
0x7c: {  	v3 =	vld [tilespmem:s11+$0xFFFFFFF0];
	[tilespmem:s29+$0x20] =	vst v2;
	v2 =	vpop (erf)  }
0x7d: {  	[tilespmem:s29+$0x30] =	vst v2;
	v2 =	vld [tilespmem:s11+$0xFFFFFFC0]  }
0x7e: {  	v1 =	vld.idx.msk [tilespmem:v1+s22+$0x0], $0xffff  }
0x7f: {  	v4 =	vld [tilespmem:s11+$0xFFFFFFD0]  }
0x80: {  	v5 =	vld [tilespmem:s11+$0xFFFFFFE0];
	_ =	sdelay $0x1  }
0x81: {  	v6 =	vld [tilespmem:s11+$0x0]  }
0x82: {  	v7 =	vld [tilespmem:s11+$0x10];
	v2 =	vadd.f32 v2, v1  }
0x83: {  	v8 =	vld [tilespmem:s11+$0x20];
	v4 =	vadd.f32 v4, v1  }
0x84: {  	v9 =	vld [tilespmem:s11+$0x30];
	v5 =	vadd.f32 v5, v1;
	v2 =	vmul.f32 $1.442695020e+00, v2  }
0x85: {  	v3 =	vadd.f32 v3, v1;
	v4 =	vmul.f32 $1.442695020e+00, v4  }
0x86: {  	v6 =	vadd.f32 v6, v1;
	v5 =	vmul.f32 $1.442695020e+00, v5;
	(erf) = vpow2.f32 v2  }
0x87: {  	v2 =	vmul.f32 $1.442695020e+00, v3;
	v3 =	vadd.f32 v7, v1;
	(erf) = vpow2.f32 v4  }
0x88: {  	v58 =	vadd.f32 v8, v1;
	v57 =	vmul.f32 $1.442695020e+00, v6;
	(erf) = vpow2.f32 v5  }
0x89: {  	v1 =	vadd.f32 v9, v1;
	v3 =	vmul.f32 $1.442695020e+00, v3;
	(erf) = vpow2.f32 v2  }
0x8a: {  	v2 =	vmul.f32 $1.442695020e+00, v58;
	(erf) = vpow2.f32 v57  }
0x8b: {  	v1 =	vmul.f32 $1.442695020e+00, v1;
	(erf) = vpow2.f32 v3  }
0x8c: {  	(erf) = vpow2.f32 v2  }
0x8d: {  	(erf) = vpow2.f32 v1;
	_ =	sdelay $0x1  }
0x8e: {  	v1 =	vpop (erf)  }
0x8f: {  	[tilespmem:s11+$0xFFFFFFC0] =	vst v1;
	v1 =	vpop (erf)  }
0x90: {  	[tilespmem:s11+$0xFFFFFFD0] =	vst v1;
	v1 =	vpop (erf)  }
0x91: {  	[tilespmem:s11+$0xFFFFFFE0] =	vst v1;
	v1 =	vpop (erf)  }
0x92: {  	[tilespmem:s11+$0xFFFFFFF0] =	vst v1;
	v1 =	vpop (erf)  }
0x93: {  	[tilespmem:s11+$0x0] =	vst v1;
	v1 =	vpop (erf)  }
0x94: {  	s21 =	sshll.u32 s3, $0x8;
	[tilespmem:s11+$0x10] =	vst v1;
	v1 =	vpop (erf)  }
0x95: {  	s21 =	sand.u32 $0x3FFFFF00, s21;
	[tilespmem:s11+$0x20] =	vst v1;
	v1 =	vpop (erf)  }
0x96: {  	[tilespmem:s11+$0x30] =	vst v1;
	s11 =	sadd.s32 $0x5000, s21;
	s21 =	simm.s32 $0x0  }
0x97: {  	[spmem:s4] =	stream.indirect.scatter.add.f32 [tilespmem:s21], [sflag:$0x3], $0x80, s11, s26, $0xb8;
	[tilespmem:$0x1D100] =	vst v63  }
0x98: {  	_ =	swait.ge [sflag:s20], $0x2800  }
0x99: {  	[sflag:s20] =	ssyncset.done $0x0  }
0x9a: {  	[sflag:s20] =	ssyncadd.s32 $0xFFFFD800  }
0x9b: {  	_ =	swait.ge [sflag:s28], $0x2800  }
0x9c: {  	s11 =	smul.u32 $0xA0, s3;
	[sflag:s28] =	ssyncset.done $0x0  }
0x9d: {  	[sflag:s28] =	ssyncadd.s32 $0xFFFFD800  }
0x9e: {  	s11 =	sadd.s32 s11, s14;
	_ =	swait.ge [sflag:s28], $0x50  }
0x9f: {  	v1 =	vmov s21;
	s29 =	sshll.u32 s11, $0x4;
	[sflag:s28] =	ssyncset.done $0x0  }
0xa0: {  	s11 =	sshrl.u32 s11, $0x3;
	s29 =	sadd.s32 s1, s29;
	[sflag:s28] =	ssyncadd.s32 $0xFFFFFFB0  }
0xa1: {  	[tilespmem:s21], [sflag:$0x1] =	stream.linear.gather [hbm4b:s29+s21], $0x2800, $0x38;
	[tilespmem:$0x1D100] =	vst v63  }
0xa2: {  	s11 =	sadd.s32 s2, s11  }
0xa3: {  	[tilespmem:s22], [sflag:$0x1] =	stream.linear.gather [hbm4b:s11+s21], $0x50, $0x38;
	[tilespmem:$0x1D100] =	vst v63  }
0xa4: {  	s21 =	simm.s32 $0x2870;
	v1 =	vld.idx.msk [tilespmem:v1+s25+$0x0], $0xffff  }
0xa5: {  	v2 =	vld [tilespmem:s21+$0xFFFFFF90]  }
0xa6: {  	v3 =	vld [tilespmem:s21+$0xFFFFFFA0]  }
0xa7: {  	v59 =	vld [tilespmem:s21+$0xFFFFFFB0]  }
0xa8: {  	v60 =	vld [tilespmem:s21+$0xFFFFFFC0];
	_ =	sdelay $0x1  }
0xa9: {  	v2 =	vadd.f32 v2, v1  }
0xaa: {  	v3 =	vadd.f32 v3, v1  }
0xab: {  	v4 =	vadd.f32 v59, v1;
	v2 =	vmul.f32 $1.442695020e+00, v2  }
0xac: {  	v5 =	vadd.f32 v60, v1;
	v3 =	vmul.f32 $1.442695020e+00, v3  }
0xad: {  	v61 =	vld [tilespmem:s21+$0xFFFFFFD0];
	v4 =	vmul.f32 $1.442695020e+00, v4;
	(erf) = vpow2.f32 v2  }
0xae: {  	v2 =	vmul.f32 $1.442695020e+00, v5;
	(erf) = vpow2.f32 v3;
	v3 =	vld [tilespmem:s21+$0xFFFFFFE0]  }
0xaf: {  	v63 =	vld [tilespmem:s21+$0xFFFFFFF0];
	(erf) = vpow2.f32 v4  }
0xb0: {  	(erf) = vpow2.f32 v2;
	v2 =	vld [tilespmem:s21+$0x0];
	_ =	sdelay $0x1  }
0xb1: {  	v6 =	vadd.f32 v61, v1  }
0xb2: {  	v3 =	vadd.f32 v3, v1  }
0xb3: {  	v62 =	vmul.f32 $1.442695020e+00, v6;
	v4 =	vadd.f32 v63, v1  }
0xb4: {  	v3 =	vmul.f32 $1.442695020e+00, v3;
	v1 =	vadd.f32 v2, v1  }
0xb5: {  	(erf) = vpow2.f32 v62;
	v4 =	vmul.f32 $1.442695020e+00, v4;
	v2 =	vpop (erf)  }
0xb6: {  	[tilespmem:s21+$0xFFFFFF90] =	vst v2;
	v2 =	vpop (erf);
	v1 =	vmul.f32 $1.442695020e+00, v1;
	(erf) = vpow2.f32 v3  }
0xb7: {  	(erf) = vpow2.f32 v4  }
0xb8: {  	(erf) = vpow2.f32 v1;
	_ =	sdelay $0x3  }
0xb9: {  	[tilespmem:s21+$0xFFFFFFA0] =	vst v2;
	v2 =	vpop (erf)  }
0xba: {  	s11 =	simm.s32 $0x1;
	[tilespmem:s21+$0xFFFFFFB0] =	vst v2;
	v2 =	vpop (erf)  }
0xbb: {  	s29 =	simm.s32 $0x2870;
	v1 =	vmov s11;
	s11 =	simm.s32 $0x2;
	[tilespmem:s21+$0xFFFFFFC0] =	vst v2;
	v2 =	vpop (erf)  }
.LBB2_7:
0xbc: {  	p0 =	sne.s32 s11, $0x4F;
	[tilespmem:s21+$0xFFFFFFD0] =	vst v2;
	v2 =	vpop (erf)  }
0xbd: {  	s21 =	sadd.s32 $0x80, s21;
	[tilespmem:s29+$0xFFFFFFE0] =	vst v2;
	v2 =	vpop (erf)  }
0xbe: {  	v3 =	vld [tilespmem:s21+$0xFFFFFFC0];
	[tilespmem:s29+$0xFFFFFFF0] =	vst v2;
	v2 =	vpop (erf)  }
0xbf: {  	v4 =	vld [tilespmem:s21+$0xFFFFFFA0];
	[tilespmem:s29+$0x0] =	vst v2;
	s29 =	smov.u32 s21  }
0xc0: {  	v1 =	vld.idx.msk [tilespmem:v1+s25+$0x0], $0xffff  }
0xc1: {  	v2 =	vld [tilespmem:s21+$0xFFFFFF90]  }
0xc2: {  	v5 =	vld [tilespmem:s21+$0xFFFFFFB0]  }
0xc3: {  	v6 =	vld [tilespmem:s21+$0xFFFFFFD0]  }
0xc4: {  	v7 =	vld [tilespmem:s21+$0xFFFFFFE0]  }
0xc5: {  	v8 =	vld [tilespmem:s21+$0xFFFFFFF0]  }
0xc6: {  	v4 =	vadd.f32 v4, v1;
	v2 =	vadd.f32 v2, v1;
	v9 =	vld [tilespmem:s21+$0x0]  }
0xc7: {  	v3 =	vadd.f32 v3, v1;
	v5 =	vadd.f32 v5, v1  }
0xc8: {  	v4 =	vmul.f32 $1.442695020e+00, v4;
	v2 =	vmul.f32 $1.442695020e+00, v2;
	v6 =	vadd.f32 v6, v1  }
0xc9: {  	v3 =	vmul.f32 $1.442695020e+00, v3;
	v5 =	vmul.f32 $1.442695020e+00, v5;
	v7 =	vadd.f32 v7, v1  }
0xca: {  	v6 =	vmul.f32 $1.442695020e+00, v6;
	v8 =	vadd.f32 v8, v1;
	(erf) = vpow2.f32 v2  }
0xcb: {  	v2 =	vmul.f32 $1.442695020e+00, v7;
	v1 =	vadd.f32 v9, v1;
	(erf) = vpow2.f32 v4  }
0xcc: {  	v4 =	vmul.f32 $1.442695020e+00, v8;
	(erf) = vpow2.f32 v5  }
0xcd: {  	v1 =	vmul.f32 $1.442695020e+00, v1;
	(erf) = vpow2.f32 v3  }
0xce: {  	(erf) = vpow2.f32 v6  }
0xcf: {  	(erf) = vpow2.f32 v2  }
0xd0: {  	(erf) = vpow2.f32 v4  }
0xd1: {  	(erf) = vpow2.f32 v1;
	_ =	sdelay $0x1  }
.Ltmp2:
0xd2: {  	v1 =	vpop (erf);
	(pc) =	sbr.rel @p0 .LBB2_7-.Ltmp2, $4  }
0xd3: {  	[tilespmem:s21+$0xFFFFFF90] =	vst v1;
	v1 =	vpop (erf)  }
0xd4: {  	[tilespmem:s21+$0xFFFFFFA0] =	vst v1;
	v1 =	vpop (erf)  }
0xd5: {  	[tilespmem:s21+$0xFFFFFFB0] =	vst v1;
	v2 =	vpop (erf)  }
0xd6: {  	v1 =	vmov s11;
	s11 =	sadd.s32 $0x1, s11;
	[tilespmem:s21+$0xFFFFFFC0] =	vst v2;
	v2 =	vpop (erf)  }
0xd7: {  	[tilespmem:s21+$0xFFFFFFD0] =	vst v2;
	v2 =	vpop (erf)  }
0xd8: {  	s11 =	sadd.s32 $0x80, s21;
	[tilespmem:s29+$0xFFFFFFE0] =	vst v2;
	v2 =	vpop (erf)  }
0xd9: {  	v3 =	vld [tilespmem:s11+$0xFFFFFFC0];
	[tilespmem:s29+$0xFFFFFFF0] =	vst v2;
	v2 =	vpop (erf)  }
0xda: {  	[tilespmem:s29+$0x0] =	vst v2;
	v2 =	vld [tilespmem:s11+$0xFFFFFF90]  }
0xdb: {  	v1 =	vld.idx.msk [tilespmem:v1+s25+$0x0], $0xffff  }
0xdc: {  	v4 =	vld [tilespmem:s11+$0xFFFFFFA0]  }
0xdd: {  	v5 =	vld [tilespmem:s11+$0xFFFFFFB0];
	_ =	sdelay $0x1  }
0xde: {  	v6 =	vld [tilespmem:s11+$0xFFFFFFD0]  }
0xdf: {  	v7 =	vld [tilespmem:s11+$0xFFFFFFE0];
	v2 =	vadd.f32 v2, v1  }
0xe0: {  	v8 =	vld [tilespmem:s11+$0xFFFFFFF0];
	v4 =	vadd.f32 v4, v1  }
0xe1: {  	v9 =	vld [tilespmem:s11+$0x0];
	v5 =	vadd.f32 v5, v1;
	v2 =	vmul.f32 $1.442695020e+00, v2  }
0xe2: {  	v3 =	vadd.f32 v3, v1;
	v4 =	vmul.f32 $1.442695020e+00, v4  }
0xe3: {  	v6 =	vadd.f32 v6, v1;
	v5 =	vmul.f32 $1.442695020e+00, v5;
	(erf) = vpow2.f32 v2  }
0xe4: {  	v2 =	vmul.f32 $1.442695020e+00, v3;
	v3 =	vadd.f32 v7, v1;
	(erf) = vpow2.f32 v4  }
0xe5: {  	v63 =	vadd.f32 v8, v1;
	v62 =	vmul.f32 $1.442695020e+00, v6;
	(erf) = vpow2.f32 v5  }
0xe6: {  	v1 =	vadd.f32 v9, v1;
	v3 =	vmul.f32 $1.442695020e+00, v3;
	(erf) = vpow2.f32 v2  }
0xe7: {  	v2 =	vmul.f32 $1.442695020e+00, v63;
	(erf) = vpow2.f32 v62  }
0xe8: {  	v1 =	vmul.f32 $1.442695020e+00, v1;
	(erf) = vpow2.f32 v3  }
0xe9: {  	(erf) = vpow2.f32 v2  }
0xea: {  	(erf) = vpow2.f32 v1;
	_ =	sdelay $0x1  }
0xeb: {  	v1 =	vpop (erf)  }
0xec: {  	[tilespmem:s11+$0xFFFFFF90] =	vst v1;
	v1 =	vpop (erf)  }
0xed: {  	[tilespmem:s11+$0xFFFFFFA0] =	vst v1;
	v1 =	vpop (erf)  }
0xee: {  	[tilespmem:s11+$0xFFFFFFB0] =	vst v1;
	v1 =	vpop (erf)  }
0xef: {  	[tilespmem:s11+$0xFFFFFFC0] =	vst v1;
	v1 =	vpop (erf)  }
0xf0: {  	[tilespmem:s11+$0xFFFFFFD0] =	vst v1;
	v1 =	vpop (erf)  }
0xf1: {  	s0 =	sshll.u32 s0, $0x7;
	s3 =	sadd.s32 $0x1, s3;
	[tilespmem:s11+$0xFFFFFFE0] =	vst v1;
	v1 =	vpop (erf)  }
0xf2: {  	s0 =	sand.u32 $0x3FFFFF80, s0;
	p0 =	sne.s32 s3, $0x3E;
	[tilespmem:s11+$0xFFFFFFF0] =	vst v1;
	v1 =	vpop (erf)  }
.Ltmp3:
0xf3: {  	s0 =	sadd.s32 $0x5000, s0;
	[tilespmem:s11+$0x0] =	vst v1;
	(pc) =	sbr.rel @p0 .LBB2_4-.Ltmp3, $4  }
0xf4: {  	[spmem:s4] =	stream.indirect.scatter.add.f32 [tilespmem:s24], [sflag:$0x3], $0x80, s0, s26, $0xb8;
	[tilespmem:$0x1D100] =	vst v63  }
0xf5: {  	_ =	swait.ge [sflag:s20], $0x2800  }
0xf6: {  	[sflag:s20] =	ssyncset.done $0x0  }
0xf7: {  	[sflag:s20] =	ssyncadd.s32 $0xFFFFD800  }
0xf8: {  	_ =	swait.ge [sflag:s23], $0x2800;
	s0 =	simm.s32 $0x0  }
0xf9: {  	[sflag:s23] =	ssyncset.done $0x0;
	v1 =	vmov s0  }
0xfa: {  	[sflag:s23] =	ssyncadd.s32 $0xFFFFD800  }
0xfb: {  	_ =	swait.ge [sflag:s23], $0x50  }
0xfc: {  	[sflag:s23] =	ssyncset.done $0x0  }
0xfd: {  	[sflag:s23] =	ssyncadd.s32 $0xFFFFFFB0  }
0xfe: {  	s0 =	simm.s32 $0x40;
	v1 =	vld.idx.msk [tilespmem:v1+s22+$0x0], $0xffff  }
0xff: {  	v2 =	vld [tilespmem:s0+$0xFFFFFFC0]  }
0x100: {  	v3 =	vld [tilespmem:s0+$0xFFFFFFD0]  }
0x101: {  	v4 =	vld [tilespmem:s0+$0xFFFFFFE0]  }
0x102: {  	v5 =	vld [tilespmem:s0+$0xFFFFFFF0];
	_ =	sdelay $0x1  }
0x103: {  	v2 =	vadd.f32 v2, v1  }
0x104: {  	v3 =	vadd.f32 v3, v1  }
0x105: {  	v4 =	vadd.f32 v4, v1;
	v2 =	vmul.f32 $1.442695020e+00, v2  }
0x106: {  	v5 =	vadd.f32 v5, v1;
	v3 =	vmul.f32 $1.442695020e+00, v3  }
0x107: {  	v6 =	vld [tilespmem:s0+$0x0];
	v4 =	vmul.f32 $1.442695020e+00, v4;
	(erf) = vpow2.f32 v2  }
0x108: {  	v2 =	vmul.f32 $1.442695020e+00, v5;
	(erf) = vpow2.f32 v3;
	v3 =	vld [tilespmem:s0+$0x10]  }
0x109: {  	v63 =	vld [tilespmem:s0+$0x20];
	(erf) = vpow2.f32 v4  }
0x10a: {  	(erf) = vpow2.f32 v2;
	v2 =	vld [tilespmem:s0+$0x30];
	_ =	sdelay $0x1  }
0x10b: {  	v6 =	vadd.f32 v6, v1  }
0x10c: {  	v3 =	vadd.f32 v3, v1  }
0x10d: {  	v62 =	vmul.f32 $1.442695020e+00, v6;
	v4 =	vadd.f32 v63, v1  }
0x10e: {  	v3 =	vmul.f32 $1.442695020e+00, v3;
	v1 =	vadd.f32 v2, v1  }
0x10f: {  	(erf) = vpow2.f32 v62;
	v4 =	vmul.f32 $1.442695020e+00, v4  }
0x110: {  	v2 =	vpop (erf);
	v1 =	vmul.f32 $1.442695020e+00, v1;
	(erf) = vpow2.f32 v3  }
0x111: {  	[tilespmem:s0+$0xFFFFFFC0] =	vst v2;
	v2 =	vpop (erf);
	(erf) = vpow2.f32 v4  }
0x112: {  	(erf) = vpow2.f32 v1;
	_ =	sdelay $0x3  }
0x113: {  	[tilespmem:s0+$0xFFFFFFD0] =	vst v2;
	v2 =	vpop (erf)  }
0x114: {  	s3 =	simm.s32 $0x1;
	[tilespmem:s0+$0xFFFFFFE0] =	vst v2;
	v2 =	vpop (erf)  }
0x115: {  	s11 =	simm.s32 $0x2;
	v1 =	vmov s3;
	s3 =	simm.s32 $0x40;
	[tilespmem:s0+$0xFFFFFFF0] =	vst v2;
	v2 =	vpop (erf)  }
.LBB2_10:
0x116: {  	p0 =	sne.s32 s11, $0x4F;
	[tilespmem:s0+$0x0] =	vst v2;
	v2 =	vpop (erf)  }
0x117: {  	s0 =	sadd.s32 $0x80, s0;
	[tilespmem:s3+$0x10] =	vst v2;
	v2 =	vpop (erf)  }
0x118: {  	v3 =	vld [tilespmem:s0+$0xFFFFFFF0];
	[tilespmem:s3+$0x20] =	vst v2;
	v2 =	vpop (erf)  }
0x119: {  	v4 =	vld [tilespmem:s0+$0xFFFFFFD0];
	[tilespmem:s3+$0x30] =	vst v2;
	s3 =	smov.u32 s0  }
0x11a: {  	v1 =	vld.idx.msk [tilespmem:v1+s22+$0x0], $0xffff  }
0x11b: {  	v2 =	vld [tilespmem:s0+$0xFFFFFFC0]  }
0x11c: {  	v5 =	vld [tilespmem:s0+$0xFFFFFFE0]  }
0x11d: {  	v6 =	vld [tilespmem:s0+$0x0]  }
0x11e: {  	v7 =	vld [tilespmem:s0+$0x10]  }
0x11f: {  	v8 =	vld [tilespmem:s0+$0x20]  }
0x120: {  	v4 =	vadd.f32 v4, v1;
	v2 =	vadd.f32 v2, v1;
	v9 =	vld [tilespmem:s0+$0x30]  }
0x121: {  	v3 =	vadd.f32 v3, v1;
	v5 =	vadd.f32 v5, v1  }
0x122: {  	v4 =	vmul.f32 $1.442695020e+00, v4;
	v2 =	vmul.f32 $1.442695020e+00, v2;
	v6 =	vadd.f32 v6, v1  }
0x123: {  	v3 =	vmul.f32 $1.442695020e+00, v3;
	v5 =	vmul.f32 $1.442695020e+00, v5;
	v7 =	vadd.f32 v7, v1  }
0x124: {  	v6 =	vmul.f32 $1.442695020e+00, v6;
	v8 =	vadd.f32 v8, v1;
	(erf) = vpow2.f32 v2  }
0x125: {  	v2 =	vmul.f32 $1.442695020e+00, v7;
	v1 =	vadd.f32 v9, v1;
	(erf) = vpow2.f32 v4  }
0x126: {  	v4 =	vmul.f32 $1.442695020e+00, v8;
	(erf) = vpow2.f32 v5  }
0x127: {  	v1 =	vmul.f32 $1.442695020e+00, v1;
	(erf) = vpow2.f32 v3  }
0x128: {  	(erf) = vpow2.f32 v6  }
0x129: {  	(erf) = vpow2.f32 v2  }
0x12a: {  	(erf) = vpow2.f32 v4  }
0x12b: {  	(erf) = vpow2.f32 v1;
	_ =	sdelay $0x1  }
.Ltmp4:
0x12c: {  	v1 =	vpop (erf);
	(pc) =	sbr.rel @p0 .LBB2_10-.Ltmp4, $4  }
0x12d: {  	[tilespmem:s0+$0xFFFFFFC0] =	vst v1;
	v1 =	vpop (erf)  }
0x12e: {  	[tilespmem:s0+$0xFFFFFFD0] =	vst v1;
	v1 =	vpop (erf)  }
0x12f: {  	[tilespmem:s0+$0xFFFFFFE0] =	vst v1;
	v2 =	vpop (erf)  }
0x130: {  	v1 =	vmov s11;
	s11 =	sadd.s32 $0x1, s11;
	[tilespmem:s0+$0xFFFFFFF0] =	vst v2;
	v2 =	vpop (erf)  }
0x131: {  	[tilespmem:s0+$0x0] =	vst v2;
	v2 =	vpop (erf)  }
0x132: {  	s21 =	sadd.s32 $0x80, s0;
	[tilespmem:s3+$0x10] =	vst v2;
	v2 =	vpop (erf)  }
0x133: {  	v3 =	vld [tilespmem:s21+$0xFFFFFFF0];
	[tilespmem:s3+$0x20] =	vst v2;
	v2 =	vpop (erf)  }
0x134: {  	[tilespmem:s3+$0x30] =	vst v2;
	v2 =	vld [tilespmem:s21+$0xFFFFFFC0]  }
0x135: {  	v1 =	vld.idx.msk [tilespmem:v1+s22+$0x0], $0xffff  }
0x136: {  	v4 =	vld [tilespmem:s21+$0xFFFFFFD0]  }
0x137: {  	v5 =	vld [tilespmem:s21+$0xFFFFFFE0];
	_ =	sdelay $0x1  }
0x138: {  	v6 =	vld [tilespmem:s21+$0x0]  }
0x139: {  	v7 =	vld [tilespmem:s21+$0x10];
	v2 =	vadd.f32 v2, v1  }
0x13a: {  	v8 =	vld [tilespmem:s21+$0x20];
	v4 =	vadd.f32 v4, v1  }
0x13b: {  	v9 =	vld [tilespmem:s21+$0x30];
	v5 =	vadd.f32 v5, v1;
	v2 =	vmul.f32 $1.442695020e+00, v2  }
0x13c: {  	v3 =	vadd.f32 v3, v1;
	v4 =	vmul.f32 $1.442695020e+00, v4  }
0x13d: {  	v6 =	vadd.f32 v6, v1;
	v5 =	vmul.f32 $1.442695020e+00, v5;
	(erf) = vpow2.f32 v2  }
0x13e: {  	v2 =	vmul.f32 $1.442695020e+00, v3;
	v3 =	vadd.f32 v7, v1;
	(erf) = vpow2.f32 v4  }
0x13f: {  	v63 =	vadd.f32 v8, v1;
	v62 =	vmul.f32 $1.442695020e+00, v6;
	(erf) = vpow2.f32 v5  }
0x140: {  	v1 =	vadd.f32 v9, v1;
	v3 =	vmul.f32 $1.442695020e+00, v3;
	(erf) = vpow2.f32 v2  }
0x141: {  	v2 =	vmul.f32 $1.442695020e+00, v63;
	(erf) = vpow2.f32 v62  }
0x142: {  	v1 =	vmul.f32 $1.442695020e+00, v1;
	(erf) = vpow2.f32 v3  }
0x143: {  	(erf) = vpow2.f32 v2  }
0x144: {  	(erf) = vpow2.f32 v1;
	_ =	sdelay $0x1  }
0x145: {  	v1 =	vpop (erf)  }
0x146: {  	[tilespmem:s21+$0xFFFFFFC0] =	vst v1;
	v1 =	vpop (erf)  }
0x147: {  	[tilespmem:s21+$0xFFFFFFD0] =	vst v1;
	v1 =	vpop (erf)  }
0x148: {  	[tilespmem:s21+$0xFFFFFFE0] =	vst v1;
	v1 =	vpop (erf)  }
0x149: {  	[tilespmem:s21+$0xFFFFFFF0] =	vst v1;
	v1 =	vpop (erf)  }
0x14a: {  	[tilespmem:s21+$0x0] =	vst v1;
	v1 =	vpop (erf)  }
0x14b: {  	[tilespmem:s21+$0x10] =	vst v1;
	v1 =	vpop (erf)  }
0x14c: {  	[tilespmem:s21+$0x20] =	vst v1;
	v1 =	vpop (erf)  }
0x14d: {  	s29 =	simm.s32 $0x8E00;
	[tilespmem:s21+$0x30] =	vst v1  }
0x14e: {  	[spmem:s4] =	stream.indirect.scatter.add.f32 [tilespmem:s5], [sflag:$0x3], $0x80, s29, s26, $0xb8;
	[tilespmem:$0x1D100] =	vst v63  }
0x14f: {  	_ =	swait.ge [sflag:s20], $0x2800  }
0x150: {  	[sflag:s20] =	ssyncset.done $0x0  }
0x151: {  	[sflag:s20] =	ssyncadd.s32 $0xFFFFD800  }
0x152: {  	[bflag:$0x0] =	sbarrier.arrive $0xFFFF  }
0x153: {  	[tilespmem:s5], [sflag:$0x3] =	stream.linear.gather [spmem:s6], $0x5000, $0x38;
	[tilespmem:$0x1D100] =	vst v63  }
0x154: {  	_ =	swait.ge [sflag:s20], $0x5000  }
0x155: {  	[sflag:s20] =	ssyncset.done $0x0  }
0x156: {  	[sflag:s20] =	ssyncadd.s32 $0xFFFFB000  }
0x157: {  	[hbm4b:s15+s5] =	stream.linear.scatter [tilespmem:s5], [sflag:$0x3], $0x5000, $0x38;
	[tilespmem:$0x1D100] =	vst v63  }
0x158: {  	_ =	swait.ge [sflag:s20], $0x5000  }
0x159: {  	[sflag:s20] =	ssyncset.done $0x0  }
0x15a: {  	[sflag:s20] =	ssyncadd.s32 $0xFFFFB000  }
0x15b: {  	[tilespmem:s5], [sflag:$0x3] =	stream.linear.gather [spmem:s8], $0x5000, $0x38;
	[tilespmem:$0x1D100] =	vst v63  }
0x15c: {  	_ =	swait.ge [sflag:s20], $0x5000  }
0x15d: {  	[sflag:s20] =	ssyncset.done $0x0  }
0x15e: {  	[sflag:s20] =	ssyncadd.s32 $0xFFFFB000  }
0x15f: {  	[hbm4b:s16+s5] =	stream.linear.scatter [tilespmem:s5], [sflag:$0x3], $0x5000, $0x38;
	[tilespmem:$0x1D100] =	vst v63  }
0x160: {  	_ =	swait.ge [sflag:s20], $0x5000  }
0x161: {  	[sflag:s20] =	ssyncset.done $0x0  }
0x162: {  	[sflag:s20] =	ssyncadd.s32 $0xFFFFB000  }
0x163: {  	[tilespmem:s5], [sflag:$0x3] =	stream.linear.gather [spmem:s9], $0x5000, $0x38;
	[tilespmem:$0x1D100] =	vst v63  }
0x164: {  	_ =	swait.ge [sflag:s20], $0x5000  }
0x165: {  	[sflag:s20] =	ssyncset.done $0x0  }
0x166: {  	[sflag:s20] =	ssyncadd.s32 $0xFFFFB000  }
0x167: {  	[hbm4b:s17+s5] =	stream.linear.scatter [tilespmem:s5], [sflag:$0x3], $0x5000, $0x38;
	[tilespmem:$0x1D100] =	vst v63  }
0x168: {  	_ =	swait.ge [sflag:s20], $0x5000  }
0x169: {  	[sflag:s20] =	ssyncset.done $0x0  }
0x16a: {  	[sflag:s20] =	ssyncadd.s32 $0xFFFFB000  }
0x16b: {  	[tilespmem:s5], [sflag:$0x3] =	stream.linear.gather [spmem:s10], $0x5000, $0x38;
	[tilespmem:$0x1D100] =	vst v63  }
0x16c: {  	s30 =	sadd.s32 $0x1, s30;
	_ =	swait.ge [sflag:s20], $0x5000  }
0x16d: {  	p0 =	sne.s32 s30, s19;
	[sflag:s20] =	ssyncset.done $0x0  }
.Ltmp5:
0x16e: {  	[sflag:s20] =	ssyncadd.s32 $0xFFFFB000;
	(pc) =	sbr.rel @p0 .LBB2_1-.Ltmp5, $4  }
0x16f: {  	[hbm4b:s18+s5] =	stream.linear.scatter [tilespmem:s5], [sflag:$0x3], $0x5000, $0x38;
	[tilespmem:$0x1D100] =	vst v63  }
0x170: {  	_ =	swait.ge [sflag:s20], $0x5000  }
0x171: {  	[sflag:s20] =	ssyncset.done $0x0  }
0x172: {  	[sflag:s20] =	ssyncadd.s32 $0xFFFFB000  }
0x173: {  	_ =	sfence.sel $0x180000  }
0x174: {  	[bflag:$0x0] =	sbarrier.arrive $0xFFFF  }
0x175: {  	_ =	strace $0x9000004A  }
0x176: {  	s0 =	stileid.u32;
	[bflag:$0x2] =	sbarrier.arrive $0xFFFF  }
0x177: {  	p0 =	sne.s32 s0, $0x0;
	s0 =	rddreg [dreg:$0x5]  }
0x178: {  	s0 =	sadd.s32 @!p0 $0x100000, s0  }
0x179: {  	[sflag:s0] =	ssyncadd.tile.s32 @!p0 $0x1;
	_ =	shalt  }
.Lfunc_end2:
_tile_overlayer_lowered:
.L_overlay_start_2:
0x17a: {  	(tag) =	ssettag $0x2  }
0x17b: {  	s0 =	rddreg [dreg:$0x0];
	s2 =	stileid.u32  }
0x17c: {  	s1 =	rddreg [dreg:$0x1];
	p0 =	sne.s32 s2, $0x0  }
0x17d: {  	s3 =	rddreg [dreg:$0x2];
	[bflag:$0x3] =	sbarrier.arrive $0xFFFF;
	s2 =	simm.s32 @!p0 $0x1C03  }
0x17e: {  	[timem:s3], [sflag:s2] =	dma.local @!p0 [hbm:s0], s1  }
0x17f: {  	s0 =	simm.s32 @!p0 $0x3  }
0x180: {  	_ =	swait.ge @!p0 [sflag:s0], s1  }
0x181: {  	s1 =	ssub.s32 @!p0 $0x0, s1;
	[sflag:s0] =	ssyncset.done @!p0 $0x0  }
0x182: {  	[sflag:s0] =	ssyncadd.s32 @!p0 s1  }
0x183: {  	[bflag:$0x3] =	sbarrier.arrive $0xFFFF  }
0x184: {  	_ =	shalt  }

// kernel: kernel.8.cloned.1.call-start
scs
__scs_entry_jumppad:
0x0: {  	(pc) =	sbr.rel $0x88, $3  }
0x1: {  	(tag) =	ssettag $0x0;
	lr =	simm.s32 $0x1  }
0x2: {  	[smem:$0x3F9E] =	sst lr;
	_ =	strace $0xD0000000  }
0x3: {  	_ = 	snop  }
0x4: {  	_ = 	snop  }
0x5: {  	_ = 	snop  }
0x6: {  	_ = 	snop  }
0x7: {  	_ = 	snop  }
__scs_overlays_trampoline_lowered:
0x8: {  	[smem:$0x3FAD] =	sst s0  }
0x9: {  	[smem:$0x3FAE] =	sst s1  }
0xa: {  	[smem:$0x3FAF] =	sst s2  }
0xb: {  	[smem:$0x3FB0] =	sst s3  }
0xc: {  	[smem:$0x3FB1] =	sst s4  }
0xd: {  	[smem:$0x3FB2] =	sst s5  }
0xe: {  	[smem:$0x3FB3] =	sst s6  }
0xf: {  	[smem:$0x3FB4] =	sst s7  }
0x10: {  	[smem:$0x3FB5] =	sst s8  }
0x11: {  	[smem:$0x3FB6] =	sst s9;
	s0 =	simm.s32 @!p0 $0x0  }
0x12: {  	s1 =	sld [smem:$0x3F9C];
	s0 =	simm.s32 @p0 $0x1  }
0x13: {  	[smem:$0x3FB7] =	sst s0;
	s0 =	simm.s32 @!p1 $0x0  }
0x14: {  	s2 =	sld [smem:$0x3F9B];
	s0 =	simm.s32 @p1 $0x1  }
0x15: {  	[smem:$0x3FB8] =	sst s0;
	s0 =	simm.s32 @!p2 $0x0  }
0x16: {  	s3 =	sld [smem:$0x3FDB];
	s0 =	simm.s32 @p2 $0x1  }
0x17: {  	s4 =	simm.s32 $0x1BF5;
	[smem:$0x3FBA] =	sst s0  }
0x18: {  	s0 =	sld [smem:$0x3F9D];
	_ =	swait.ge [sflag:s4], $0x0  }
0x19: {  	s7 =	sld [smem:$0x3F9E]  }
0x1a: {  	s8 =	sadd.s32 $0xFFFFE003, lr  }
0x1b: {  	s9 =	sadd.s32 $0xFFFFFEF7, lr;
	s5 =	simm.s32 $0xFFFFFFFF;
	p2 =	slt.u32 s8, $0xFFFFF086  }
0x1c: {  	p1 =	slt.u32 s9, $0xF7A;
	s5 =	simm.s32 @!p2 $0x0  }
0x1d: {  	s5 =	simm.s32 @p1 $0x1;
	p0 =	seq.s32 s7, s2  }
0x1e: {  	s7 =	smul.u32 @!p0 $0xF7A, s2;
	p2 =	seq.s32 @!p0 s5, $0x0  }
0x1f: {  	s9 =	smul.u32 $0xF7A, s1;
	s8 =	simm.s32 @!p0 $0x1BF5;
	p2 =	por !p2, p0  }
0x20: {  	[sflag:s8] =	ssyncset.s32 @!p0 $0xFFFFF086;
	s6 =	sadd.s32 @!p0 s3, s7;
	s7 =	simm.s32 @!p0 $0x108  }
0x21: {  	s3 =	sadd.s32 s3, s9;
	s6 =	sadd.s32 @!p0 $0x88, s6;
	s7 =	simm.s32 @p2 $0x1082  }
0x22: {  	[simem:s7], [sflag:s8] =	dma.local @!p0 [hbm:s6], $0xF7A  }
0x23: {  	s9 =	sor.u32 $0xD0000000, s2;
	s6 =	simm.s32 $0x108;
	_ =	swait.ge @!p0 [sflag:s8], $0x0  }
0x24: {  	s3 =	sadd.s32 $0x88, s3;
	s6 =	simm.s32 @!p1 $0x1082;
	[sflag:s4] =	ssyncset.s32 $0xFFFFF086  }
0x25: {  	[simem:s6], [sflag:s4] =	dma.local [hbm:s3], $0xF7A  }
0x26: {  	[smem:$0x3F9E] =	sst s1;
	(tag) =	ssettag s2;
	_ =	strace s9  }
0x27: {  	s1 =	sld [smem:$0x3FAE]  }
0x28: {  	s2 =	sld [smem:$0x3FAF]  }
0x29: {  	s4 =	sld [smem:$0x3FB1]  }
0x2a: {  	p0 =	seq.s32 s5, $0x0;
	s5 =	sld [smem:$0x3FB2]  }
0x2b: {  	s6 =	sld [smem:$0x3FB3]  }
0x2c: {  	s7 =	sld [smem:$0x3FB4]  }
0x2d: {  	s3 =	simm.s32 $0x108;
	s8 =	sld [smem:$0x3FB5]  }
0x2e: {  	s3 =	simm.s32 @!p0 $0x1082;
	s9 =	sld [smem:$0x3FB6]  }
0x2f: {  	lr =	sadd.s32 s0, s3;
	s0 =	sld [smem:$0x3FAD]  }
0x30: {  	s3 =	sld [smem:$0x3FB0]  }
0x31: {  	[smem:$0x3FB9] =	sst s10  }
0x32: {  	s10 =	sld [smem:$0x3FB7];
	_ =	sdelay $0x3  }
0x33: {  	p0 =	seq.s32 s10, $0x1;
	s10 =	sld [smem:$0x3FB9];
	_ =	sdelay $0x3  }
0x34: {  	[smem:$0x3FB9] =	sst s10  }
0x35: {  	s10 =	sld [smem:$0x3FB8];
	_ =	sdelay $0x3  }
0x36: {  	p1 =	seq.s32 s10, $0x1;
	s10 =	sld [smem:$0x3FB9];
	_ =	sdelay $0x3  }
0x37: {  	[smem:$0x3FB9] =	sst s10  }
0x38: {  	s10 =	sld [smem:$0x3FBA]  }
0x39: {  	_ = 	snop;
	(pc) =	sbr.ind lr, $3  }
0x3a: {  	_ = 	snop  }
0x3b: {  	_ = 	snop  }
0x3c: {  	p2 =	seq.s32 s10, $0x1;
	s10 =	sld [smem:$0x3FB9]  }
0x3d: {  	_ =	shalt  }
0x3e: {  	_ =	shalt  }
0x3f: {  	_ =	shalt  }
0x40: {  	_ =	shalt  }
0x41: {  	_ =	shalt  }
0x42: {  	_ =	shalt  }
0x43: {  	_ =	shalt  }
0x44: {  	_ =	shalt  }
0x45: {  	_ =	shalt  }
0x46: {  	_ =	shalt  }
0x47: {  	_ =	shalt  }
0x48: {  	_ =	shalt  }
0x49: {  	_ =	shalt  }
0x4a: {  	_ =	shalt  }
0x4b: {  	_ =	shalt  }
0x4c: {  	_ =	shalt  }
0x4d: {  	_ =	shalt  }
0x4e: {  	_ =	shalt  }
0x4f: {  	_ =	shalt  }
0x50: {  	_ =	shalt  }
0x51: {  	_ =	shalt  }
0x52: {  	_ =	shalt  }
0x53: {  	_ =	shalt  }
0x54: {  	_ =	shalt  }
0x55: {  	_ =	shalt  }
0x56: {  	_ =	shalt  }
0x57: {  	_ =	shalt  }
0x58: {  	_ =	shalt  }
0x59: {  	_ =	shalt  }
0x5a: {  	_ =	shalt  }
0x5b: {  	_ =	shalt  }
0x5c: {  	_ =	shalt  }
0x5d: {  	_ =	shalt  }
0x5e: {  	_ =	shalt  }
0x5f: {  	_ =	shalt  }
0x60: {  	_ =	shalt  }
0x61: {  	_ =	shalt  }
0x62: {  	_ =	shalt  }
0x63: {  	_ =	shalt  }
0x64: {  	_ =	shalt  }
0x65: {  	_ =	shalt  }
0x66: {  	_ =	shalt  }
0x67: {  	_ =	shalt  }
0x68: {  	_ =	shalt  }
0x69: {  	_ =	shalt  }
0x6a: {  	_ =	shalt  }
0x6b: {  	_ =	shalt  }
0x6c: {  	_ =	shalt  }
0x6d: {  	_ =	shalt  }
0x6e: {  	_ =	shalt  }
0x6f: {  	_ =	shalt  }
0x70: {  	_ =	shalt  }
0x71: {  	_ =	shalt  }
0x72: {  	_ =	shalt  }
0x73: {  	_ =	shalt  }
0x74: {  	_ =	shalt  }
0x75: {  	_ =	shalt  }
0x76: {  	_ =	shalt  }
0x77: {  	_ =	shalt  }
0x78: {  	_ =	shalt  }
0x79: {  	_ =	shalt  }
0x7a: {  	_ =	shalt  }
0x7b: {  	_ =	shalt  }
0x7c: {  	_ =	shalt  }
0x7d: {  	_ =	shalt  }
0x7e: {  	_ =	shalt  }
0x7f: {  	_ =	shalt  }
0x80: {  	_ =	shalt  }
0x81: {  	_ =	shalt  }
0x82: {  	_ =	shalt  }
0x83: {  	_ =	shalt  }
0x84: {  	_ =	shalt  }
0x85: {  	_ =	shalt  }
0x86: {  	_ =	shalt  }
0x87: {  	_ =	shalt  }
.Lfunc_end0:
.L_simem_size_0:
called_computation.1_lowered:
.L_overlay_start_0:
0x88: {  	s2 =	sld [smem:$0x3FD9]  }
0x89: {  	s3 =	sld [smem:$0x3FFE];
	_ =	sdelay $0x1  }
0x8a: {  	s1 =	srdreg.scid  }
0x8b: {  	s0 =	sand.u32 $0x1, s1  }
0x8c: {  	s17 =	sshll.u32 s0, $0xA;
	s2 =	sadd.s32 s3, s2  }
0x8d: {  	s2 =	sadd.s32 s2, s17  }
0x8e: {  	[smem:$0x3FC5] =	sst s2  }
0x8f: {  	_ = 	snop  }
0x90: {  	s2 =	sld [smem:$0x3FC8]  }
0x91: {  	s18 =	sld [smem:$0x3FC7];
	(tm) =	ssettm $0x1  }
0x92: {  	s4 =	sld [smem:$0x3FFB];
	_ =	sdelay $0x3  }
0x93: {  	_ =	strace s4  }
0x94: {  	s4 =	sld [smem:$0x3FFC];
	_ =	sdelay $0x3  }
0x95: {  	_ =	strace s4  }
0x96: {  	s4 =	sld [smem:$0x3FFD];
	_ =	sdelay $0x3  }
0x97: {  	_ =	strace s4  }
0x98: {  	_ =	strace $0x8FFFFFFF  }
0x99: {  	s19 =	sld [smem:$0x3FDB];
	_ =	sdelay $0x1  }
0x9a: {  	s5 =	simm.s32 $_scs_section_size  }
0x9b: {  	s6 =	simm.s32 $_size__tile_overlayer_lowered;
	s7 =	simm.s32 $_tile_overlayer_lowered  }
0x9c: {  	s22 =	simm.s32 $0x1BFF;
	s21 =	sshll.u32 s7, $0x1;
	s4 =	sadd.s32 s5, s19  }
0x9d: {  	s8 =	simm.s32 $0x0;
	s20 =	sshll.u32 s6, $0x1;
	s6 =	sadd.s32 s21, s4  }
0x9e: {  	[timem:s8], [sflag:s22] =	dma.local [hbm:s6], s20  }
0x9f: {  	_ =	swait.ge [sflag:s22], s20  }
0xa0: {  	s5 =	ssub.s32 $0x0, s20;
	[sflag:s22] =	ssyncset.done $0x0  }
0xa1: {  	[sflag:s22] =	ssyncadd.s32 s5;
	_ =	sdelay $0x1  }
0xa2: {  	s23 =	simm.s32 $0x1B8B  }
0xa3: {  	_ =	swait.ge [sflag:s23], $0x1  }
0xa4: {  	[sflag:s23] =	ssyncset.done $0x0  }
0xa5: {  	s25 =	simm.s32 $0x1B8E;
	s24 =	sld [smem:$0x3FFE];
	[sflag:s23] =	ssyncadd.s32 $0xFFFFFFFF  }
0xa6: {  	s26 =	simm.s32 $execute0_lowered;
	[smem:$0x3FD2] =	sst s25  }
0xa7: {  	s6 =	sshll.u32 s26, $0x1;
	_ =	strace $0x80000046;
	[dreg:$0x1] =	wrdreg $0xFFFFFFFF  }
0xa8: {  	s28 =	simm.s32 $_size_execute0_lowered;
	s4 =	sadd.s32 s4, s6;
	[dreg:$0x0] =	wrdreg $0x0  }
0xa9: {  	s6 =	sshll.u32 s28, $0x1;
	[dreg:$0x2] =	wrdreg s4  }
0xaa: {  	[dreg:$0x3] =	wrdreg s6  }
0xab: {  	[dreg:$0x4] =	wrdreg $0xC0  }
0xac: {  	_ =	task [dreg:s8], $0x5FFFF  }
0xad: {  	[dreg:$0x1] =	wrdreg $0xFFFFFFFF  }
0xae: {  	[dreg:$0x0] =	wrdreg $0x60  }
0xaf: {  	[dreg:$0x2] =	wrdreg s2  }
0xb0: {  	[dreg:$0x3] =	wrdreg s18  }
0xb1: {  	[dreg:$0x4] =	wrdreg s24  }
0xb2: {  	[dreg:$0x5] =	wrdreg $0x77800  }
0xb3: {  	[dreg:$0x6] =	wrdreg $0xA  }
0xb4: {  	_ =	task.clear_ibuf [dreg:s8], $0x7FFFF;
	_ =	strace $0x90000046  }
0xb5: {  	s29 =	simm.s32 $0xA;
	_ =	strace $0x80000048  }
0xb6: {  	_ =	swait.ge [sflag:s29], $0x1  }
0xb7: {  	[sflag:s29] =	ssyncadd.s32 $0xFFFFFFFF  }
0xb8: {  	_ =	strace $0x90000048  }
0xb9: {  	_ =	sfence  }
0xba: {  	s30 =	sld [smem:$0x0];
	_ =	sdelay $0x2  }
0xbb: {  	s31 =	sshll.u32 s1, $0xD;
	s1 =	sshrl.u32 s1, $0x2  }
0xbc: {  	s3 =	sand.u32 $0x4000, s31;
	s1 =	sadd.s32 s1, s30  }
0xbd: {  	s0 =	sor.u32 s3, s0;
	s1 =	sshll.u32 s1, $0x11  }
0xbe: {  	s0 =	sor.u32 s1, s0  }
0xbf: {  	s0 =	sadd.s32 $0x8F2B, s0  }
0xc0: {  	[sflag:s0] =	ssyncadd.remote.s32 $0x1  }
0xc1: {  	_ =	sfence.sel $0xFFFF  }
0xc2: {  	[dreg:$0x0] =	wrdreg $0xFFFFFFFF;
	(pc) =	sbr.abs _section_cstart, $3  }
0xc3: {  	[dreg:$0x1] =	wrdreg $0xFFFFFFFF  }
0xc4: {  	_ =	task.clear_ibuf [dreg:s8], $0x2FFFF;
	_ =	strace $0x9FFFFFFF  }
0xc5: {  	(tm) =	ssettm $0x7FFFFFFF  }
tec
execute0_lowered:
.L_overlay_start_1:
0x0: {  	(tag) =	ssettag $0x1  }
0x1: {  	s3 =	rddreg [dreg:$0x0]  }
0x2: {  	s4 =	rddreg [dreg:$0x1]  }
0x3: {  	s5 =	rddreg [dreg:$0x2]  }
0x4: {  	s1 =	rddreg [dreg:$0x3];
	s2 =	srdreg.scid  }
0x5: {  	s0 =	rddreg [dreg:$0x4];
	s11 =	stileid.u32  }
0x6: {  	s6 =	sand.u32 $0x1, s2;
	s2 =	simm.s32 $0x0;
	s8 =	sshll.u32 s11, $0xA  }
0x7: {  	p0 =	sne.s32 s11, $0x0;
	p1 =	sgt.u32 s11, $0x9;
	s7 =	smul.u32 $0x2800, s6  }
0x8: {  	[smem:$0x7FF] =	sst s2;
	s9 =	sshll.u32 s6, $0x4;
	s6 =	ssub.s32 $0x2, s6  }
0x9: {  	s13 =	sadd.s32 s8, s1;
	s12 =	sshll.u32 @!p1 s11, $0x6;
	s9 =	sor.u32 s11, s9  }
0xa: {  	s10 =	sshrl.u32 s6, $0x1;
	_ =	strace $0x80000047;
	s11 =	simm.s32 $0x7700  }
0xb: {  	s12 =	sor.u32 @!p1 $0x1C01, s12;
	s13 =	sshrl.u32 @!p1 s13, $0x3;
	s7 =	sadd.s32 s7, s8  }
0xc: {  	s9 =	smul.u32 $0x4E2, s9;
	s6 =	ssub.s32 s6, s10;
	s8 =	simm.s32 $0x2780  }
0xd: {  	v0 =	vlaneseq.u32;
	s10 =	simm.s32 $0x50;
	s7 =	sshrl.u32 s7, $0x3;
	s6 =	smax.u32 s6, $0x1  }
0xe: {  	v1 =	vimm.f32 $0.0e+00;
	v2 =	vor.u32 $0x10, v0;
	s5 =	sadd.s32 s7, s5;
	s3 =	sadd.s32 s3, s9;
	s4 =	sadd.s32 s4, s9  }
0xf: {  	v3 =	vor.u32 $0x20, v0;
	v4 =	vor.u32 $0x30, v0;
	v5 =	vor.u32 $0x40, v0;
	s7 =	simm.s32 $0x1;
	s9 =	simm.s32 $0x4F00;
	s5 =	sadd.s32 $0xC00, s5  }
.LBB2_1:
0x10: {  	s14 =	simm.s32 $0x0;
	s15 =	simm.s32 $0x200  }
.LBB2_2:
0x11: {  	p2 =	sne.s32 s15, $0x9E00;
	[tilespmem:s14+$0x4F70] =	vst v1  }
0x12: {  	[tilespmem:s14+$0x4F00] =	vst v1  }
0x13: {  	[tilespmem:s14+$0x4F10] =	vst v1  }
.Ltmp0:
0x14: {  	[tilespmem:s14+$0x4F20] =	vst v1;
	(pc) =	sbr.rel @p2 .LBB2_2-.Ltmp0, $4  }
0x15: {  	[tilespmem:s14+$0x4F30] =	vst v1  }
0x16: {  	[tilespmem:s14+$0x4F40] =	vst v1  }
0x17: {  	[tilespmem:s14+$0x4F50] =	vst v1  }
0x18: {  	[tilespmem:s14+$0x4F60] =	vst v1;
	s14 =	sshra.s32 s15, $0x2;
	s15 =	sadd.s32 $0x200, s15  }
0x19: {  	[tilespmem:s14+$0x4F70] =	vst v1  }
0x1a: {  	[tilespmem:s14+$0x4F00] =	vst v1  }
0x1b: {  	[tilespmem:s14+$0x4F10] =	vst v1  }
0x1c: {  	[tilespmem:s14+$0x4F20] =	vst v1  }
0x1d: {  	[tilespmem:s14+$0x4F30] =	vst v1  }
0x1e: {  	[tilespmem:s14+$0x4F40] =	vst v1  }
0x1f: {  	[tilespmem:s14+$0x4F50] =	vst v1  }
0x20: {  	[tilespmem:s14+$0x4F60] =	vst v1;
	s14 =	simm.s32 @!p0 $0x4F00  }
0x21: {  	[spmem:s1] =	stream.linear.scatter @!p0 [tilespmem:s14], [sflag:$0x1], $0x2800, $0x38;
	[tilespmem:$0x7A00] =	vst v63  }
0x22: {  	s14 =	simm.s32 @!p0 $0x1  }
0x23: {  	_ =	swait.ge @!p0 [sflag:s14], $0x2800  }
0x24: {  	[sflag:s14] =	ssyncset.done @!p0 $0x0  }
0x25: {  	[sflag:s14] =	ssyncadd.s32 @!p0 $0xFFFFD800  }
0x26: {  	[tilespmem:$0x7700] =	vst v0  }
0x27: {  	[tilespmem:$0x7710] =	vst v2  }
0x28: {  	[tilespmem:$0x7720] =	vst v3  }
0x29: {  	[tilespmem:$0x7730] =	vst v4  }
0x2a: {  	[tilespmem:$0x7740] =	vst v5  }
0x2b: {  	s31 =	simm.s32 $0x0;
	[bflag:$0x0] =	sbarrier.arrive $0xFFFF  }
0x2c: {  	[tilespmem:s31], [sflag:$0x1] =	stream.linear.gather [hbm4b:s3+s31], $0x2710, $0x38;
	[tilespmem:$0x7A00] =	vst v63  }
0x2d: {  	_ =	swait.ge [sflag:s7], $0x2710  }
0x2e: {  	[sflag:s7] =	ssyncset.done $0x0  }
0x2f: {  	[sflag:s7] =	ssyncadd.s32 $0xFFFFD8F0  }
0x30: {  	[tilespmem:s8], [sflag:$0x1] =	stream.linear.gather [hbm4b:s4+s31], $0x2710, $0x38;
	[tilespmem:$0x7A00] =	vst v63  }
0x31: {  	_ =	swait.ge [sflag:s7], $0x2710  }
0x32: {  	[sflag:s7] =	ssyncset.done $0x0  }
0x33: {  	s15 =	simm.s32 $0x0;
	s14 =	simm.s32 $0x40;
	[sflag:s7] =	ssyncadd.s32 $0xFFFFD8F0  }
.LBB2_4:
0x34: {  	p2 =	sne.s32 s14, $0x9C00;
	v6 =	vld [tilespmem:s15+$0x0];
	_ =	sdelay $0x4  }
0x35: {  	v6 =	vmul.f32 $1.442695020e+00, v6;
	_ =	sdelay $0x1  }
0x36: {  	(erf) = vpow2.f32 v6;
	_ =	sdelay $0x1  }
0x37: {  	v6 =	vld [tilespmem:s15+$0x2780];
	_ =	sdelay $0x3  }
.Ltmp1:
0x38: {  	(pc) =	sbr.rel @p2 .LBB2_4-.Ltmp1, $3  }
0x39: {  	_ =	sdelay $0x1  }
0x3a: {  	v7 =	vpop (erf)  }
0x3b: {  	s15 =	sshra.s32 s14, $0x2;
	s14 =	sadd.s32 $0x40, s14;
	[tilespmem:v6+s9+$0x0] =	vst.idx.add.f32.msk $0xffff, v7  }
0x3c: {  	v6 =	vld [tilespmem:s15+$0x0];
	_ =	sdelay $0x4  }
0x3d: {  	v6 =	vmul.f32 $1.442695020e+00, v6;
	_ =	sdelay $0x1  }
0x3e: {  	(erf) = vpow2.f32 v6;
	_ =	sdelay $0x1  }
0x3f: {  	v6 =	vld [tilespmem:s15+$0x2780];
	_ =	sdelay $0x6  }
0x40: {  	v7 =	vpop (erf)  }
0x41: {  	[tilespmem:v6+s9+$0x0] =	vst.idx.add.f32.msk $0xffff, v7  }
0x42: {  	[spmem:s1] =	stream.indirect.scatter.add.f32 [tilespmem:s9], [sflag:$0x1], $0x80, s11, s10, $0xb8;
	[tilespmem:$0x7A00] =	vst v63  }
0x43: {  	_ =	swait.ge [sflag:s7], $0x2800  }
0x44: {  	s2 =	sadd.s32 $0x1, s2;
	[sflag:s7] =	ssyncset.done $0x0  }
0x45: {  	p2 =	sne.s32 s2, s6;
	[sflag:s7] =	ssyncadd.s32 $0xFFFFD800  }
.Ltmp2:
0x46: {  	s14 =	simm.s32 @!p1 $0x1;
	[bflag:$0x0] =	sbarrier.arrive $0xFFFF;
	(pc) =	sbr.rel @p2 .LBB2_1-.Ltmp2, $4  }
0x47: {  	[hbm:s5], [sflag:s12] =	dma.local @!p1 [spmem:s13], $0x80  }
0x48: {  	_ =	swait.ge @!p1 [sflag:s14], $0x80  }
0x49: {  	[sflag:s14] =	ssyncset.done @!p1 $0x0  }
0x4a: {  	[sflag:s14] =	ssyncadd.s32 @!p1 $0xFFFFFF80  }
0x4b: {  	_ =	sfence.sel $0x180000  }
0x4c: {  	[bflag:$0x0] =	sbarrier.arrive $0xFFFF  }
0x4d: {  	_ =	strace $0x90000047  }
0x4e: {  	s0 =	sadd.s32 @!p0 $0x100000, s0;
	[bflag:$0x2] =	sbarrier.arrive $0xFFFF  }
0x4f: {  	[sflag:s0] =	ssyncadd.tile.s32 @!p0 $0x1;
	_ =	shalt  }
.Lfunc_end2:
_tile_overlayer_lowered:
.L_overlay_start_2:
0x50: {  	(tag) =	ssettag $0x2  }
0x51: {  	s0 =	rddreg [dreg:$0x0];
	s2 =	stileid.u32  }
0x52: {  	s1 =	rddreg [dreg:$0x1];
	p0 =	sne.s32 s2, $0x0  }
0x53: {  	s3 =	rddreg [dreg:$0x2];
	[bflag:$0x3] =	sbarrier.arrive $0xFFFF;
	s2 =	simm.s32 @!p0 $0x1C01  }
0x54: {  	[timem:s3], [sflag:s2] =	dma.local @!p0 [hbm:s0], s1  }
0x55: {  	s0 =	simm.s32 @!p0 $0x1  }
0x56: {  	_ =	swait.ge @!p0 [sflag:s0], s1  }
0x57: {  	s1 =	ssub.s32 @!p0 $0x0, s1;
	[sflag:s0] =	ssyncset.done @!p0 $0x0  }
0x58: {  	[sflag:s0] =	ssyncadd.s32 @!p0 s1  }
0x59: {  	[bflag:$0x3] =	sbarrier.arrive $0xFFFF  }
0x5a: {  	_ =	shalt  }

</sc_bundles>
